<compile_context>
chip_gen: v7x
topology: tpu7x:2x2x1
jax: 0.10.2.dev20260603
libtpu: 0.0.44.dev20260713+nightly
codegen_flags: <defaults>
</compile_context>

<pallas_src>
import functools

import jax
import jax.numpy as jnp
from jax import lax
from jax.experimental import pallas as pl
from jax.experimental.pallas import tpu as pltpu
from jax.experimental.pallas import tpu_sc as plsc

N_NODES = 10000
N_EDGES = 320000
DIM = 128
LAMBDA_WEIGHT = 0.1
L = 16
NW = 32
C_BLK = 2560
N_BLK = N_EDGES // C_BLK
FULL_ROUNDS = N_BLK // NW
TAIL_WORKERS = N_BLK - FULL_ROUNDS * NW
ITERS = C_BLK // L

_mesh = plsc.VectorSubcoreMesh(core_axis_name="c", subcore_axis_name="s")


@functools.partial(
    pl.kernel,
    out_type=jax.ShapeDtypeStruct((2 * NW, N_NODES), jnp.int32),
    mesh=_mesh,
    scratch_types=[
        pltpu.VMEM((FULL_ROUNDS + 1, 2, C_BLK), jnp.int32),
        pltpu.VMEM((N_NODES,), jnp.int32),
        pltpu.VMEM((N_NODES,), jnp.int32),
        pltpu.SemaphoreType.DMA,
    ],
    compiler_params=pltpu.CompilerParams(needs_layout_passes=False),
)
def _hist_kernel(edge_hbm, out_hbm, slab_v, hsrc_v, hdst_v, sem):
    c = lax.axis_index("c")
    s = lax.axis_index("s")
    wid = s * 2 + c

    copies = []
    for b in range(FULL_ROUNDS):
        blk = wid + b * NW
        copies.append(
            pltpu.async_copy(
                edge_hbm.at[:, pl.ds(blk * C_BLK, C_BLK)], slab_v.at[b], sem
            )
        )
    has_tail = wid < TAIL_WORKERS

    @pl.when(has_tail)
    def _():
        blk = wid + FULL_ROUNDS * NW
        pltpu.async_copy(
            edge_hbm.at[:, pl.ds(blk * C_BLK, C_BLK)],
            slab_v.at[FULL_ROUNDS],
            sem,
        )

    zeros = jnp.zeros((L,), jnp.int32)

    def zero_body(i, carry):
        hsrc_v[pl.ds(i * L, L)] = zeros
        hdst_v[pl.ds(i * L, L)] = zeros
        return carry

    lax.fori_loop(0, N_NODES // L, zero_body, 0, unroll=8)

    for cp in copies:
        cp.wait()

    @pl.when(has_tail)
    def _():
        pltpu.make_async_copy(
            edge_hbm.at[:, pl.ds(0, C_BLK)], slab_v.at[FULL_ROUNDS], sem
        ).wait()

    ones = jnp.ones((L,), jnp.int32)

    GROUP = 4

    def scatter_block(b):
        def body(i, carry):
            base = i * (GROUP * L)
            svs = [slab_v[b, 0, pl.ds(base + k * L, L)] for k in range(GROUP)]
            dvs = [slab_v[b, 1, pl.ds(base + k * L, L)] for k in range(GROUP)]
            for v in svs:
                plsc.addupdate_scatter(hsrc_v, [v], ones)
            for v in dvs:
                plsc.addupdate_scatter(hdst_v, [v], ones)
            return carry

        lax.fori_loop(0, ITERS // GROUP, body, 0, unroll=4)

    for b in range(FULL_ROUNDS):
        scatter_block(b)

    @pl.when(has_tail)
    def _():
        scatter_block(FULL_ROUNDS)

    pltpu.sync_copy(hsrc_v, out_hbm.at[wid])
    pltpu.sync_copy(hdst_v, out_hbm.at[NW + wid])


def _reduce_body(emb_ref, parts_ref, out_ref):
    parts = parts_ref[...].astype(jnp.float32)
    emb = emb_ref[...]
    M = lax.dot_general(
        parts, emb, (((1,), (0,)), ((), ())),
        precision=lax.Precision.HIGHEST,
        preferred_element_type=jnp.float32,
    )
    ssq = jnp.sum(emb * emb, axis=1, keepdims=True)
    r = lax.dot_general(
        parts[:NW], ssq, (((1,), (0,)), ((), ())),
        precision=lax.Precision.DEFAULT,
        preferred_element_type=jnp.float32,
    )
    T = jnp.sum(M[:NW], axis=0, keepdims=True)
    S = jnp.sum(M[NW:], axis=0, keepdims=True)
    R = jnp.sum(r)
    TS = jnp.sum(T * S)
    SS = jnp.sum(S * S)
    loss = (LAMBDA_WEIGHT / (N_EDGES * DIM)) * (
        R - 2.0 * TS + N_EDGES * SS
    )
    out_ref[0, 0] = loss


def kernel(embeddings, edge_index):
    idx = edge_index.astype(jnp.int32)
    parts = _hist_kernel(idx)
    loss = pl.pallas_call(
        _reduce_body,
        out_shape=jax.ShapeDtypeStruct((1, 1), jnp.float32),
        out_specs=pl.BlockSpec(memory_space=pltpu.SMEM),
    )(embeddings, parts)
    return loss[0, 0]

# --- scband reference (transcript-rebuilt; emitter-appended) ---
"""Pipeline reference for scband-neighborhood-consistency-loss-27504970563866 (READ-ONLY COPY).

The authoritative reference and input builder live on the scoring server;
editing this copy changes nothing except your own understanding.
"""

import jax, jax.numpy as jnp
import numpy as np

LAMBDA_REG = 0.1

def setup_inputs(seed: int = 0) -> dict:
    key = jax.random.key(seed)
    k1, k2 = jax.random.split(key)
    embeddings = jax.random.normal(k1, (10000, 128), dtype=jnp.float32)
    edge_index = jax.random.randint(k2, (2, 320000), 0, 10000, dtype=jnp.int64)
    return {"embeddings": embeddings, "edge_index": edge_index}

def reference(embeddings, edge_index):
    src = edge_index[0]
    dst = edge_index[1]
    src_embeddings = jnp.take(embeddings, src, axis=0)        # [E, d] gather
    neighbor_embeddings = jnp.take(embeddings, dst, axis=0)   # [E, d] gather
    # torch.bmm(emb[src].unsqueeze(1), neighbor.unsqueeze(2)) -> [E, 1, 1]
    scores = jnp.einsum('ed,ed->e', src_embeddings, neighbor_embeddings)[:, None, None]
    # softmax over dim=1 (size 1), then squeeze -> [E]
    attention_weights = jnp.squeeze(jax.nn.softmax(scores, axis=1))
    weighted_neighbor_embeddings = attention_weights[:, None] * neighbor_embeddings  # [E, d]
    weighted_sum = jnp.sum(weighted_neighbor_embeddings, axis=0)  # [d]
    # F.mse_loss with broadcasting: mean over [E, d]
    similarity_loss = jnp.mean((src_embeddings - weighted_sum) ** 2)
    return LAMBDA_REG * similarity_loss

if __name__ == "__main__":
    import jax
    _d = setup_inputs()
    print(jax.jit(kernel)(*tuple(_d.values())))

</pallas_src>

<mosaic_0001>
#map = affine_map<(d0, d1) -> (0, 0)>
module attributes {stable_mosaic.version = 14 : i64} {
  func.func @_hist_kernel(%arg0: i32, %arg1: i32, %arg2: memref<2x320000xi32, #tpu.memory_space<hbm>>, %arg3: memref<64x10000xi32, #tpu.memory_space<hbm>>, %arg4: memref<4x2x2560xi32, #tpu.memory_space<vmem>>, %arg5: memref<10000xi32, #tpu.memory_space<vmem>>, %arg6: memref<10000xi32, #tpu.memory_space<vmem>>, %arg7: memref<!tpu.dma_semaphore, #tpu.memory_space<semaphore_mem>>) attributes {dimension_semantics = [#tpu.dimension_semantics<core_parallel>, #tpu.dimension_semantics<subcore_parallel>], iteration_bounds = array<i64: 2, 16>, scalar_prefetch = 0 : i64, scratch_operands = 4 : i64, tpu.core_type = #tpu.core_type<sc_vector_subcore>, window_params = [{transform_indices = #map}, {transform_indices = #map}]} {
    %mul3A = arith.constant 2 : i32
    %mul3A_0 = arith.muli %arg1, %mul3A : i32
    %add3A = arith.addi %mul3A_0, %arg0 : i32
    %add3A_1 = arith.constant 0 : i32
    %add3A_2 = arith.addi %add3A, %add3A_1 : i32
    %mul3A_3 = arith.constant 2560 : i32
    %mul3A_4 = arith.muli %add3A_2, %mul3A_3 : i32
    %dma_start3A = arith.constant 0 : i32
    %dma_start3A_5 = arith.constant 0 : i32
    %dma_start3A_6 = arith.constant 0 : i32
    %dma_start3A_7 = tpu.memref_slice %arg4[%dma_start3A, %dma_start3A_5, %dma_start3A_6] : memref<4x2x2560xi32, #tpu.memory_space<vmem>> -> memref<1x2x2560xi32, #tpu.memory_space<vmem>>
    %dma_start3A_8 = tpu.memref_squeeze %dma_start3A_7 : memref<1x2x2560xi32, #tpu.memory_space<vmem>> -> memref<2x2560xi32, #tpu.memory_space<vmem>>
    %dma_start3A_9 = arith.constant 0 : i32
    %dma_start3A_10 = tpu.memref_slice %arg2[%dma_start3A_9, %mul3A_4] : memref<2x320000xi32, #tpu.memory_space<hbm>> -> memref<2x2560xi32, #tpu.memory_space<hbm>>
    %dma_start3A_11 = arith.constant 0 : i32
    %dma_start3A_12 = arith.constant 0 : i32
    %dma_start3A_13 = tpu.memref_slice %arg4[%dma_start3A, %dma_start3A_11, %dma_start3A_12] : memref<4x2x2560xi32, #tpu.memory_space<vmem>> -> memref<1x2x2560xi32, #tpu.memory_space<vmem>>
    %dma_start3A_14 = tpu.memref_squeeze %dma_start3A_13 : memref<1x2x2560xi32, #tpu.memory_space<vmem>> -> memref<2x2560xi32, #tpu.memory_space<vmem>>
    %dma_start3A_15 = arith.constant 0 : i32
    %dma_start3A_16 = tpu.memref_slice %arg2[%dma_start3A_15, %mul3A_4] : memref<2x320000xi32, #tpu.memory_space<hbm>> -> memref<2x2560xi32, #tpu.memory_space<hbm>>
    tpu.enqueue_dma source(%dma_start3A_16 : memref<2x2560xi32, #tpu.memory_space<hbm>>) target(%dma_start3A_14 : memref<2x2560xi32, #tpu.memory_space<vmem>>) target_semaphore(%arg7 : memref<!tpu.dma_semaphore, #tpu.memory_space<semaphore_mem>>)
    %add3A_17 = arith.constant 32 : i32
    %add3A_18 = arith.addi %add3A, %add3A_17 : i32
    %mul3A_19 = arith.constant 2560 : i32
    %mul3A_20 = arith.muli %add3A_18, %mul3A_19 : i32
    %dma_start3A_21 = arith.constant 1 : i32
    %dma_start3A_22 = arith.constant 0 : i32
    %dma_start3A_23 = arith.constant 0 : i32
    %dma_start3A_24 = tpu.memref_slice %arg4[%dma_start3A_21, %dma_start3A_22, %dma_start3A_23] : memref<4x2x2560xi32, #tpu.memory_space<vmem>> -> memref<1x2x2560xi32, #tpu.memory_space<vmem>>
    %dma_start3A_25 = tpu.memref_squeeze %dma_start3A_24 : memref<1x2x2560xi32, #tpu.memory_space<vmem>> -> memref<2x2560xi32, #tpu.memory_space<vmem>>
    %dma_start3A_26 = arith.constant 0 : i32
    %dma_start3A_27 = tpu.memref_slice %arg2[%dma_start3A_26, %mul3A_20] : memref<2x320000xi32, #tpu.memory_space<hbm>> -> memref<2x2560xi32, #tpu.memory_space<hbm>>
    %dma_start3A_28 = arith.constant 0 : i32
    %dma_start3A_29 = arith.constant 0 : i32
    %dma_start3A_30 = tpu.memref_slice %arg4[%dma_start3A_21, %dma_start3A_28, %dma_start3A_29] : memref<4x2x2560xi32, #tpu.memory_space<vmem>> -> memref<1x2x2560xi32, #tpu.memory_space<vmem>>
    %dma_start3A_31 = tpu.memref_squeeze %dma_start3A_30 : memref<1x2x2560xi32, #tpu.memory_space<vmem>> -> memref<2x2560xi32, #tpu.memory_space<vmem>>
    %dma_start3A_32 = arith.constant 0 : i32
    %dma_start3A_33 = tpu.memref_slice %arg2[%dma_start3A_32, %mul3A_20] : memref<2x320000xi32, #tpu.memory_space<hbm>> -> memref<2x2560xi32, #tpu.memory_space<hbm>>
    tpu.enqueue_dma source(%dma_start3A_33 : memref<2x2560xi32, #tpu.memory_space<hbm>>) target(%dma_start3A_31 : memref<2x2560xi32, #tpu.memory_space<vmem>>) target_semaphore(%arg7 : memref<!tpu.dma_semaphore, #tpu.memory_space<semaphore_mem>>)
    %add3A_34 = arith.constant 64 : i32
    %add3A_35 = arith.addi %add3A, %add3A_34 : i32
    %mul3A_36 = arith.constant 2560 : i32
    %mul3A_37 = arith.muli %add3A_35, %mul3A_36 : i32
    %dma_start3A_38 = arith.constant 2 : i32
    %dma_start3A_39 = arith.constant 0 : i32
    %dma_start3A_40 = arith.constant 0 : i32
    %dma_start3A_41 = tpu.memref_slice %arg4[%dma_start3A_38, %dma_start3A_39, %dma_start3A_40] : memref<4x2x2560xi32, #tpu.memory_space<vmem>> -> memref<1x2x2560xi32, #tpu.memory_space<vmem>>
    %dma_start3A_42 = tpu.memref_squeeze %dma_start3A_41 : memref<1x2x2560xi32, #tpu.memory_space<vmem>> -> memref<2x2560xi32, #tpu.memory_space<vmem>>
    %dma_start3A_43 = arith.constant 0 : i32
    %dma_start3A_44 = tpu.memref_slice %arg2[%dma_start3A_43, %mul3A_37] : memref<2x320000xi32, #tpu.memory_space<hbm>> -> memref<2x2560xi32, #tpu.memory_space<hbm>>
    %dma_start3A_45 = arith.constant 0 : i32
    %dma_start3A_46 = arith.constant 0 : i32
    %dma_start3A_47 = tpu.memref_slice %arg4[%dma_start3A_38, %dma_start3A_45, %dma_start3A_46] : memref<4x2x2560xi32, #tpu.memory_space<vmem>> -> memref<1x2x2560xi32, #tpu.memory_space<vmem>>
    %dma_start3A_48 = tpu.memref_squeeze %dma_start3A_47 : memref<1x2x2560xi32, #tpu.memory_space<vmem>> -> memref<2x2560xi32, #tpu.memory_space<vmem>>
    %dma_start3A_49 = arith.constant 0 : i32
    %dma_start3A_50 = tpu.memref_slice %arg2[%dma_start3A_49, %mul3A_37] : memref<2x320000xi32, #tpu.memory_space<hbm>> -> memref<2x2560xi32, #tpu.memory_space<hbm>>
    tpu.enqueue_dma source(%dma_start3A_50 : memref<2x2560xi32, #tpu.memory_space<hbm>>) target(%dma_start3A_48 : memref<2x2560xi32, #tpu.memory_space<vmem>>) target_semaphore(%arg7 : memref<!tpu.dma_semaphore, #tpu.memory_space<semaphore_mem>>)
    %lt3A = arith.constant 29 : i32
    %lt3A_51 = arith.cmpi slt, %add3A, %lt3A : i32
    %convert_element_type3A = arith.extui %lt3A_51 : i1 to i32
    %cond3A = arith.constant 0 : i32
    %cond3A_52 = arith.cmpi ne, %convert_element_type3A, %cond3A : i32
    scf.if %cond3A_52 {
      %add3A_134 = arith.constant 96 : i32
      %add3A_135 = arith.addi %add3A, %add3A_134 : i32
      %mul3A_136 = arith.constant 2560 : i32
      %mul3A_137 = arith.muli %add3A_135, %mul3A_136 : i32
      %dma_start3A_138 = arith.constant 3 : i32
      %dma_start3A_139 = arith.constant 0 : i32
      %dma_start3A_140 = arith.constant 0 : i32
      %dma_start3A_141 = tpu.memref_slice %arg4[%dma_start3A_138, %dma_start3A_139, %dma_start3A_140] : memref<4x2x2560xi32, #tpu.memory_space<vmem>> -> memref<1x2x2560xi32, #tpu.memory_space<vmem>>
      %dma_start3A_142 = tpu.memref_squeeze %dma_start3A_141 : memref<1x2x2560xi32, #tpu.memory_space<vmem>> -> memref<2x2560xi32, #tpu.memory_space<vmem>>
      %dma_start3A_143 = arith.constant 0 : i32
      %dma_start3A_144 = tpu.memref_slice %arg2[%dma_start3A_143, %mul3A_137] : memref<2x320000xi32, #tpu.memory_space<hbm>> -> memref<2x2560xi32, #tpu.memory_space<hbm>>
      %dma_start3A_145 = arith.constant 0 : i32
      %dma_start3A_146 = arith.constant 0 : i32
      %dma_start3A_147 = tpu.memref_slice %arg4[%dma_start3A_138, %dma_start3A_145, %dma_start3A_146] : memref<4x2x2560xi32, #tpu.memory_space<vmem>> -> memref<1x2x2560xi32, #tpu.memory_space<vmem>>
      %dma_start3A_148 = tpu.memref_squeeze %dma_start3A_147 : memref<1x2x2560xi32, #tpu.memory_space<vmem>> -> memref<2x2560xi32, #tpu.memory_space<vmem>>
      %dma_start3A_149 = arith.constant 0 : i32
      %dma_start3A_150 = tpu.memref_slice %arg2[%dma_start3A_149, %mul3A_137] : memref<2x320000xi32, #tpu.memory_space<hbm>> -> memref<2x2560xi32, #tpu.memory_space<hbm>>
      tpu.enqueue_dma source(%dma_start3A_150 : memref<2x2560xi32, #tpu.memory_space<hbm>>) target(%dma_start3A_148 : memref<2x2560xi32, #tpu.memory_space<vmem>>) target_semaphore(%arg7 : memref<!tpu.dma_semaphore, #tpu.memory_space<semaphore_mem>>)
    } else {
    }
    %broadcast_in_dim3A = arith.constant 0 : i32
    %broadcast_in_dim3A_53 = vector.broadcast %broadcast_in_dim3A : i32 to vector<16xi32>
    %scan3A = arith.constant 0 : i32
    %scan3A_54 = arith.constant 0 : i32
    %scan3A_55 = arith.constant 624 : i32
    %scan3A_56 = arith.addi %scan3A_54, %scan3A_55 : i32
    %scan3A_57 = arith.constant 8 : i32
    scf.for %scan3A_134 = %scan3A_54 to %scan3A_56 step %scan3A_57  : i32 {
      %mul3A_135 = arith.constant 16 : i32
      %mul3A_136 = arith.muli %scan3A_134, %mul3A_135 : i32
      %swap3A_137 = arith.index_cast %mul3A_136 : i32 to index
      %swap3A_138 = tpu.vector_load %arg5[%swap3A_137] {strides = array<i32>} : memref<10000xi32, #tpu.memory_space<vmem>>, vector<16xi32>,
      tpu.vector_store %arg5[%swap3A_137], %broadcast_in_dim3A_53 {strides = array<i32>} : memref<10000xi32, #tpu.memory_space<vmem>>, vector<16xi32>,
      %mul3A_139 = arith.constant 16 : i32
      %mul3A_140 = arith.muli %scan3A_134, %mul3A_139 : i32
      %swap3A_141 = arith.index_cast %mul3A_140 : i32 to index
      %swap3A_142 = tpu.vector_load %arg6[%swap3A_141] {strides = array<i32>} : memref<10000xi32, #tpu.memory_space<vmem>>, vector<16xi32>,
      tpu.vector_store %arg6[%swap3A_141], %broadcast_in_dim3A_53 {strides = array<i32>} : memref<10000xi32, #tpu.memory_space<vmem>>, vector<16xi32>,
      %scan3A_143 = arith.constant 1 : i32
      %scan3A_144 = arith.addi %scan3A_134, %scan3A_143 : i32
      %mul3A_145 = arith.constant 16 : i32
      %mul3A_146 = arith.muli %scan3A_144, %mul3A_145 : i32
      %swap3A_147 = arith.index_cast %mul3A_146 : i32 to index
      %swap3A_148 = tpu.vector_load %arg5[%swap3A_147] {strides = array<i32>} : memref<10000xi32, #tpu.memory_space<vmem>>, vector<16xi32>,
      tpu.vector_store %arg5[%swap3A_147], %broadcast_in_dim3A_53 {strides = array<i32>} : memref<10000xi32, #tpu.memory_space<vmem>>, vector<16xi32>,
      %mul3A_149 = arith.constant 16 : i32
      %mul3A_150 = arith.muli %scan3A_144, %mul3A_149 : i32
      %swap3A_151 = arith.index_cast %mul3A_150 : i32 to index
      %swap3A_152 = tpu.vector_load %arg6[%swap3A_151] {strides = array<i32>} : memref<10000xi32, #tpu.memory_space<vmem>>, vector<16xi32>,
      tpu.vector_store %arg6[%swap3A_151], %broadcast_in_dim3A_53 {strides = array<i32>} : memref<10000xi32, #tpu.memory_space<vmem>>, vector<16xi32>,
      %scan3A_153 = arith.constant 2 : i32
      %scan3A_154 = arith.addi %scan3A_134, %scan3A_153 : i32
      %mul3A_155 = arith.constant 16 : i32
      %mul3A_156 = arith.muli %scan3A_154, %mul3A_155 : i32
      %swap3A_157 = arith.index_cast %mul3A_156 : i32 to index
      %swap3A_158 = tpu.vector_load %arg5[%swap3A_157] {strides = array<i32>} : memref<10000xi32, #tpu.memory_space<vmem>>, vector<16xi32>,
      tpu.vector_store %arg5[%swap3A_157], %broadcast_in_dim3A_53 {strides = array<i32>} : memref<10000xi32, #tpu.memory_space<vmem>>, vector<16xi32>,
      %mul3A_159 = arith.constant 16 : i32
      %mul3A_160 = arith.muli %scan3A_154, %mul3A_159 : i32
      %swap3A_161 = arith.index_cast %mul3A_160 : i32 to index
      %swap3A_162 = tpu.vector_load %arg6[%swap3A_161] {strides = array<i32>} : memref<10000xi32, #tpu.memory_space<vmem>>, vector<16xi32>,
      tpu.vector_store %arg6[%swap3A_161], %broadcast_in_dim3A_53 {strides = array<i32>} : memref<10000xi32, #tpu.memory_space<vmem>>, vector<16xi32>,
      %scan3A_163 = arith.constant 3 : i32
      %scan3A_164 = arith.addi %scan3A_134, %scan3A_163 : i32
      %mul3A_165 = arith.constant 16 : i32
      %mul3A_166 = arith.muli %scan3A_164, %mul3A_165 : i32
      %swap3A_167 = arith.index_cast %mul3A_166 : i32 to index
      %swap3A_168 = tpu.vector_load %arg5[%swap3A_167] {strides = array<i32>} : memref<10000xi32, #tpu.memory_space<vmem>>, vector<16xi32>,
      tpu.vector_store %arg5[%swap3A_167], %broadcast_in_dim3A_53 {strides = array<i32>} : memref<10000xi32, #tpu.memory_space<vmem>>, vector<16xi32>,
      %mul3A_169 = arith.constant 16 : i32
      %mul3A_170 = arith.muli %scan3A_164, %mul3A_169 : i32
      %swap3A_171 = arith.index_cast %mul3A_170 : i32 to index
      %swap3A_172 = tpu.vector_load %arg6[%swap3A_171] {strides = array<i32>} : memref<10000xi32, #tpu.memory_space<vmem>>, vector<16xi32>,
      tpu.vector_store %arg6[%swap3A_171], %broadcast_in_dim3A_53 {strides = array<i32>} : memref<10000xi32, #tpu.memory_space<vmem>>, vector<16xi32>,
      %scan3A_173 = arith.constant 4 : i32
      %scan3A_174 = arith.addi %scan3A_134, %scan3A_173 : i32
      %mul3A_175 = arith.constant 16 : i32
      %mul3A_176 = arith.muli %scan3A_174, %mul3A_175 : i32
      %swap3A_177 = arith.index_cast %mul3A_176 : i32 to index
      %swap3A_178 = tpu.vector_load %arg5[%swap3A_177] {strides = array<i32>} : memref<10000xi32, #tpu.memory_space<vmem>>, vector<16xi32>,
      tpu.vector_store %arg5[%swap3A_177], %broadcast_in_dim3A_53 {strides = array<i32>} : memref<10000xi32, #tpu.memory_space<vmem>>, vector<16xi32>,
      %mul3A_179 = arith.constant 16 : i32
      %mul3A_180 = arith.muli %scan3A_174, %mul3A_179 : i32
      %swap3A_181 = arith.index_cast %mul3A_180 : i32 to index
      %swap3A_182 = tpu.vector_load %arg6[%swap3A_181] {strides = array<i32>} : memref<10000xi32, #tpu.memory_space<vmem>>, vector<16xi32>,
      tpu.vector_store %arg6[%swap3A_181], %broadcast_in_dim3A_53 {strides = array<i32>} : memref<10000xi32, #tpu.memory_space<vmem>>, vector<16xi32>,
      %scan3A_183 = arith.constant 5 : i32
      %scan3A_184 = arith.addi %scan3A_134, %scan3A_183 : i32
      %mul3A_185 = arith.constant 16 : i32
      %mul3A_186 = arith.muli %scan3A_184, %mul3A_185 : i32
      %swap3A_187 = arith.index_cast %mul3A_186 : i32 to index
      %swap3A_188 = tpu.vector_load %arg5[%swap3A_187] {strides = array<i32>} : memref<10000xi32, #tpu.memory_space<vmem>>, vector<16xi32>,
      tpu.vector_store %arg5[%swap3A_187], %broadcast_in_dim3A_53 {strides = array<i32>} : memref<10000xi32, #tpu.memory_space<vmem>>, vector<16xi32>,
      %mul3A_189 = arith.constant 16 : i32
      %mul3A_190 = arith.muli %scan3A_184, %mul3A_189 : i32
      %swap3A_191 = arith.index_cast %mul3A_190 : i32 to index
      %swap3A_192 = tpu.vector_load %arg6[%swap3A_191] {strides = array<i32>} : memref<10000xi32, #tpu.memory_space<vmem>>, vector<16xi32>,
      tpu.vector_store %arg6[%swap3A_191], %broadcast_in_dim3A_53 {strides = array<i32>} : memref<10000xi32, #tpu.memory_space<vmem>>, vector<16xi32>,
      %scan3A_193 = arith.constant 6 : i32
      %scan3A_194 = arith.addi %scan3A_134, %scan3A_193 : i32
      %mul3A_195 = arith.constant 16 : i32
      %mul3A_196 = arith.muli %scan3A_194, %mul3A_195 : i32
      %swap3A_197 = arith.index_cast %mul3A_196 : i32 to index
      %swap3A_198 = tpu.vector_load %arg5[%swap3A_197] {strides = array<i32>} : memref<10000xi32, #tpu.memory_space<vmem>>, vector<16xi32>,
      tpu.vector_store %arg5[%swap3A_197], %broadcast_in_dim3A_53 {strides = array<i32>} : memref<10000xi32, #tpu.memory_space<vmem>>, vector<16xi32>,
      %mul3A_199 = arith.constant 16 : i32
      %mul3A_200 = arith.muli %scan3A_194, %mul3A_199 : i32
      %swap3A_201 = arith.index_cast %mul3A_200 : i32 to index
      %swap3A_202 = tpu.vector_load %arg6[%swap3A_201] {strides = array<i32>} : memref<10000xi32, #tpu.memory_space<vmem>>, vector<16xi32>,
      tpu.vector_store %arg6[%swap3A_201], %broadcast_in_dim3A_53 {strides = array<i32>} : memref<10000xi32, #tpu.memory_space<vmem>>, vector<16xi32>,
      %scan3A_203 = arith.constant 7 : i32
      %scan3A_204 = arith.addi %scan3A_134, %scan3A_203 : i32
      %mul3A_205 = arith.constant 16 : i32
      %mul3A_206 = arith.muli %scan3A_204, %mul3A_205 : i32
      %swap3A_207 = arith.index_cast %mul3A_206 : i32 to index
      %swap3A_208 = tpu.vector_load %arg5[%swap3A_207] {strides = array<i32>} : memref<10000xi32, #tpu.memory_space<vmem>>, vector<16xi32>,
      tpu.vector_store %arg5[%swap3A_207], %broadcast_in_dim3A_53 {strides = array<i32>} : memref<10000xi32, #tpu.memory_space<vmem>>, vector<16xi32>,
      %mul3A_209 = arith.constant 16 : i32
      %mul3A_210 = arith.muli %scan3A_204, %mul3A_209 : i32
      %swap3A_211 = arith.index_cast %mul3A_210 : i32 to index
      %swap3A_212 = tpu.vector_load %arg6[%swap3A_211] {strides = array<i32>} : memref<10000xi32, #tpu.memory_space<vmem>>, vector<16xi32>,
      tpu.vector_store %arg6[%swap3A_211], %broadcast_in_dim3A_53 {strides = array<i32>} : memref<10000xi32, #tpu.memory_space<vmem>>, vector<16xi32>,
    }
    %scan3A_58 = arith.constant 624 : i32
    %scan3A_59 = arith.addi %scan3A_54, %scan3A_58 : i32
    %mul3A_60 = arith.constant 16 : i32
    %mul3A_61 = arith.muli %scan3A_59, %mul3A_60 : i32
    %swap3A = arith.index_cast %mul3A_61 : i32 to index
    %swap3A_62 = tpu.vector_load %arg5[%swap3A] {strides = array<i32>} : memref<10000xi32, #tpu.memory_space<vmem>>, vector<16xi32>,
    tpu.vector_store %arg5[%swap3A], %broadcast_in_dim3A_53 {strides = array<i32>} : memref<10000xi32, #tpu.memory_space<vmem>>, vector<16xi32>,
    %mul3A_63 = arith.constant 16 : i32
    %mul3A_64 = arith.muli %scan3A_59, %mul3A_63 : i32
    %swap3A_65 = arith.index_cast %mul3A_64 : i32 to index
    %swap3A_66 = tpu.vector_load %arg6[%swap3A_65] {strides = array<i32>} : memref<10000xi32, #tpu.memory_space<vmem>>, vector<16xi32>,
    tpu.vector_store %arg6[%swap3A_65], %broadcast_in_dim3A_53 {strides = array<i32>} : memref<10000xi32, #tpu.memory_space<vmem>>, vector<16xi32>,
    %scan3A_67 = arith.constant 625 : i32
    %dma_wait3A = arith.constant 0 : i32
    %dma_wait3A_68 = arith.constant 0 : i32
    %dma_wait3A_69 = arith.constant 0 : i32
    %dma_wait3A_70 = tpu.memref_slice %arg4[%dma_wait3A, %dma_wait3A_68, %dma_wait3A_69] : memref<4x2x2560xi32, #tpu.memory_space<vmem>> -> memref<1x2x2560xi32, #tpu.memory_space<vmem>>
    %dma_wait3A_71 = tpu.memref_squeeze %dma_wait3A_70 : memref<1x2x2560xi32, #tpu.memory_space<vmem>> -> memref<2x2560xi32, #tpu.memory_space<vmem>>
    %dma_wait3A_72 = arith.constant 0 : i32
    %dma_wait3A_73 = tpu.memref_slice %arg2[%dma_wait3A_72, %mul3A_4] : memref<2x320000xi32, #tpu.memory_space<hbm>> -> memref<2x2560xi32, #tpu.memory_space<hbm>>
    %dma_wait3A_74 = arith.constant 0 : i32
    %dma_wait3A_75 = arith.constant 0 : i32
    %dma_wait3A_76 = tpu.memref_slice %arg4[%dma_wait3A, %dma_wait3A_74, %dma_wait3A_75] : memref<4x2x2560xi32, #tpu.memory_space<vmem>> -> memref<1x2x2560xi32, #tpu.memory_space<vmem>>
    %dma_wait3A_77 = tpu.memref_squeeze %dma_wait3A_76 : memref<1x2x2560xi32, #tpu.memory_space<vmem>> -> memref<2x2560xi32, #tpu.memory_space<vmem>>
    %dma_wait3A_78 = arith.constant 0 : i32
    %dma_wait3A_79 = tpu.memref_slice %arg2[%dma_wait3A_78, %mul3A_4] : memref<2x320000xi32, #tpu.memory_space<hbm>> -> memref<2x2560xi32, #tpu.memory_space<hbm>>
    tpu.wait_dma2 semaphore(%arg7 : memref<!tpu.dma_semaphore, #tpu.memory_space<semaphore_mem>>) src(%dma_wait3A_79 : memref<2x2560xi32, #tpu.memory_space<hbm>>) dst(%dma_wait3A_77 : memref<2x2560xi32, #tpu.memory_space<vmem>>)
    %dma_wait3A_80 = arith.constant 1 : i32
    %dma_wait3A_81 = arith.constant 0 : i32
    %dma_wait3A_82 = arith.constant 0 : i32
    %dma_wait3A_83 = tpu.memref_slice %arg4[%dma_wait3A_80, %dma_wait3A_81, %dma_wait3A_82] : memref<4x2x2560xi32, #tpu.memory_space<vmem>> -> memref<1x2x2560xi32, #tpu.memory_space<vmem>>
    %dma_wait3A_84 = tpu.memref_squeeze %dma_wait3A_83 : memref<1x2x2560xi32, #tpu.memory_space<vmem>> -> memref<2x2560xi32, #tpu.memory_space<vmem>>
    %dma_wait3A_85 = arith.constant 0 : i32
    %dma_wait3A_86 = tpu.memref_slice %arg2[%dma_wait3A_85, %mul3A_20] : memref<2x320000xi32, #tpu.memory_space<hbm>> -> memref<2x2560xi32, #tpu.memory_space<hbm>>
    %dma_wait3A_87 = arith.constant 0 : i32
    %dma_wait3A_88 = arith.constant 0 : i32
    %dma_wait3A_89 = tpu.memref_slice %arg4[%dma_wait3A_80, %dma_wait3A_87, %dma_wait3A_88] : memref<4x2x2560xi32, #tpu.memory_space<vmem>> -> memref<1x2x2560xi32, #tpu.memory_space<vmem>>
    %dma_wait3A_90 = tpu.memref_squeeze %dma_wait3A_89 : memref<1x2x2560xi32, #tpu.memory_space<vmem>> -> memref<2x2560xi32, #tpu.memory_space<vmem>>
    %dma_wait3A_91 = arith.constant 0 : i32
    %dma_wait3A_92 = tpu.memref_slice %arg2[%dma_wait3A_91, %mul3A_20] : memref<2x320000xi32, #tpu.memory_space<hbm>> -> memref<2x2560xi32, #tpu.memory_space<hbm>>
    tpu.wait_dma2 semaphore(%arg7 : memref<!tpu.dma_semaphore, #tpu.memory_space<semaphore_mem>>) src(%dma_wait3A_92 : memref<2x2560xi32, #tpu.memory_space<hbm>>) dst(%dma_wait3A_90 : memref<2x2560xi32, #tpu.memory_space<vmem>>)
    %dma_wait3A_93 = arith.constant 2 : i32
    %dma_wait3A_94 = arith.constant 0 : i32
    %dma_wait3A_95 = arith.constant 0 : i32
    %dma_wait3A_96 = tpu.memref_slice %arg4[%dma_wait3A_93, %dma_wait3A_94, %dma_wait3A_95] : memref<4x2x2560xi32, #tpu.memory_space<vmem>> -> memref<1x2x2560xi32, #tpu.memory_space<vmem>>
    %dma_wait3A_97 = tpu.memref_squeeze %dma_wait3A_96 : memref<1x2x2560xi32, #tpu.memory_space<vmem>> -> memref<2x2560xi32, #tpu.memory_space<vmem>>
    %dma_wait3A_98 = arith.constant 0 : i32
    %dma_wait3A_99 = tpu.memref_slice %arg2[%dma_wait3A_98, %mul3A_37] : memref<2x320000xi32, #tpu.memory_space<hbm>> -> memref<2x2560xi32, #tpu.memory_space<hbm>>
    %dma_wait3A_100 = arith.constant 0 : i32
    %dma_wait3A_101 = arith.constant 0 : i32
    %dma_wait3A_102 = tpu.memref_slice %arg4[%dma_wait3A_93, %dma_wait3A_100, %dma_wait3A_101] : memref<4x2x2560xi32, #tpu.memory_space<vmem>> -> memref<1x2x2560xi32, #tpu.memory_space<vmem>>
    %dma_wait3A_103 = tpu.memref_squeeze %dma_wait3A_102 : memref<1x2x2560xi32, #tpu.memory_space<vmem>> -> memref<2x2560xi32, #tpu.memory_space<vmem>>
    %dma_wait3A_104 = arith.constant 0 : i32
    %dma_wait3A_105 = tpu.memref_slice %arg2[%dma_wait3A_104, %mul3A_37] : memref<2x320000xi32, #tpu.memory_space<hbm>> -> memref<2x2560xi32, #tpu.memory_space<hbm>>
    tpu.wait_dma2 semaphore(%arg7 : memref<!tpu.dma_semaphore, #tpu.memory_space<semaphore_mem>>) src(%dma_wait3A_105 : memref<2x2560xi32, #tpu.memory_space<hbm>>) dst(%dma_wait3A_103 : memref<2x2560xi32, #tpu.memory_space<vmem>>)
    %convert_element_type3A_106 = arith.extui %lt3A_51 : i1 to i32
    %cond3A_107 = arith.constant 0 : i32
    %cond3A_108 = arith.cmpi ne, %convert_element_type3A_106, %cond3A_107 : i32
    scf.if %cond3A_108 {
      %dma_wait3A_134 = arith.constant 3 : i32
      %dma_wait3A_135 = arith.constant 0 : i32
      %dma_wait3A_136 = arith.constant 0 : i32
      %dma_wait3A_137 = tpu.memref_slice %arg4[%dma_wait3A_134, %dma_wait3A_135, %dma_wait3A_136] : memref<4x2x2560xi32, #tpu.memory_space<vmem>> -> memref<1x2x2560xi32, #tpu.memory_space<vmem>>
      %dma_wait3A_138 = tpu.memref_squeeze %dma_wait3A_137 : memref<1x2x2560xi32, #tpu.memory_space<vmem>> -> memref<2x2560xi32, #tpu.memory_space<vmem>>
      %dma_wait3A_139 = arith.constant 0 : i32
      %dma_wait3A_140 = arith.constant 0 : i32
      %dma_wait3A_141 = tpu.memref_slice %arg2[%dma_wait3A_139, %dma_wait3A_140] : memref<2x320000xi32, #tpu.memory_space<hbm>> -> memref<2x2560xi32, #tpu.memory_space<hbm>>
      %dma_wait3A_142 = arith.constant 0 : i32
      %dma_wait3A_143 = arith.constant 0 : i32
      %dma_wait3A_144 = tpu.memref_slice %arg4[%dma_wait3A_134, %dma_wait3A_142, %dma_wait3A_143] : memref<4x2x2560xi32, #tpu.memory_space<vmem>> -> memref<1x2x2560xi32, #tpu.memory_space<vmem>>
      %dma_wait3A_145 = tpu.memref_squeeze %dma_wait3A_144 : memref<1x2x2560xi32, #tpu.memory_space<vmem>> -> memref<2x2560xi32, #tpu.memory_space<vmem>>
      %dma_wait3A_146 = arith.constant 0 : i32
      %dma_wait3A_147 = arith.constant 0 : i32
      %dma_wait3A_148 = tpu.memref_slice %arg2[%dma_wait3A_146, %dma_wait3A_147] : memref<2x320000xi32, #tpu.memory_space<hbm>> -> memref<2x2560xi32, #tpu.memory_space<hbm>>
      tpu.wait_dma2 semaphore(%arg7 : memref<!tpu.dma_semaphore, #tpu.memory_space<semaphore_mem>>) src(%dma_wait3A_148 : memref<2x2560xi32, #tpu.memory_space<hbm>>) dst(%dma_wait3A_145 : memref<2x2560xi32, #tpu.memory_space<vmem>>)
    } else {
    }
    %broadcast_in_dim3A_109 = arith.constant 1 : i32
    %broadcast_in_dim3A_110 = vector.broadcast %broadcast_in_dim3A_109 : i32 to vector<16xi32>
    %scan3A_111 = arith.constant 0 : i32
    %scan3A_112 = arith.constant 0 : i32
    %scan3A_113 = arith.constant 40 : i32
    %scan3A_114 = arith.addi %scan3A_112, %scan3A_113 : i32
    %scan3A_115 = arith.constant 4 : i32
    scf.for %scan3A_134 = %scan3A_112 to %scan3A_114 step %scan3A_115  : i32 {
      %mul3A_135 = arith.constant 64 : i32
      %mul3A_136 = arith.muli %scan3A_134, %mul3A_135 : i32
      %add3A_137 = arith.constant 0 : i32
      %add3A_138 = arith.addi %mul3A_136, %add3A_137 : i32
      %get3A = arith.constant 0 : i32
      %get3A_139 = arith.constant 0 : i32
      %get3A_140 = arith.index_cast %get3A : i32 to index
      %get3A_141 = arith.index_cast %get3A_139 : i32 to index
      %get3A_142 = arith.index_cast %add3A_138 : i32 to index
      %get3A_143 = tpu.vector_load %arg4[%get3A_140, %get3A_141, %get3A_142] {strides = array<i32>} : memref<4x2x2560xi32, #tpu.memory_space<vmem>>, vector<16xi32>,
      %add3A_144 = arith.constant 16 : i32
      %add3A_145 = arith.addi %mul3A_136, %add3A_144 : i32
      %get3A_146 = arith.constant 0 : i32
      %get3A_147 = arith.constant 0 : i32
      %get3A_148 = arith.index_cast %get3A_146 : i32 to index
      %get3A_149 = arith.index_cast %get3A_147 : i32 to index
      %get3A_150 = arith.index_cast %add3A_145 : i32 to index
      %get3A_151 = tpu.vector_load %arg4[%get3A_148, %get3A_149, %get3A_150] {strides = array<i32>} : memref<4x2x2560xi32, #tpu.memory_space<vmem>>, vector<16xi32>,
      %add3A_152 = arith.constant 32 : i32
      %add3A_153 = arith.addi %mul3A_136, %add3A_152 : i32
      %get3A_154 = arith.constant 0 : i32
      %get3A_155 = arith.constant 0 : i32
      %get3A_156 = arith.index_cast %get3A_154 : i32 to index
      %get3A_157 = arith.index_cast %get3A_155 : i32 to index
      %get3A_158 = arith.index_cast %add3A_153 : i32 to index
      %get3A_159 = tpu.vector_load %arg4[%get3A_156, %get3A_157, %get3A_158] {strides = array<i32>} : memref<4x2x2560xi32, #tpu.memory_space<vmem>>, vector<16xi32>,
      %add3A_160 = arith.constant 48 : i32
      %add3A_161 = arith.addi %mul3A_136, %add3A_160 : i32
      %get3A_162 = arith.constant 0 : i32
      %get3A_163 = arith.constant 0 : i32
      %get3A_164 = arith.index_cast %get3A_162 : i32 to index
      %get3A_165 = arith.index_cast %get3A_163 : i32 to index
      %get3A_166 = arith.index_cast %add3A_161 : i32 to index
      %get3A_167 = tpu.vector_load %arg4[%get3A_164, %get3A_165, %get3A_166] {strides = array<i32>} : memref<4x2x2560xi32, #tpu.memory_space<vmem>>, vector<16xi32>,
      %add3A_168 = arith.constant 0 : i32
      %add3A_169 = arith.addi %mul3A_136, %add3A_168 : i32
      %get3A_170 = arith.constant 0 : i32
      %get3A_171 = arith.constant 1 : i32
      %get3A_172 = arith.index_cast %get3A_170 : i32 to index
      %get3A_173 = arith.index_cast %get3A_171 : i32 to index
      %get3A_174 = arith.index_cast %add3A_169 : i32 to index
      %get3A_175 = tpu.vector_load %arg4[%get3A_172, %get3A_173, %get3A_174] {strides = array<i32>} : memref<4x2x2560xi32, #tpu.memory_space<vmem>>, vector<16xi32>,
      %add3A_176 = arith.constant 16 : i32
      %add3A_177 = arith.addi %mul3A_136, %add3A_176 : i32
      %get3A_178 = arith.constant 0 : i32
      %get3A_179 = arith.constant 1 : i32
      %get3A_180 = arith.index_cast %get3A_178 : i32 to index
      %get3A_181 = arith.index_cast %get3A_179 : i32 to index
      %get3A_182 = arith.index_cast %add3A_177 : i32 to index
      %get3A_183 = tpu.vector_load %arg4[%get3A_180, %get3A_181, %get3A_182] {strides = array<i32>} : memref<4x2x2560xi32, #tpu.memory_space<vmem>>, vector<16xi32>,
      %add3A_184 = arith.constant 32 : i32
      %add3A_185 = arith.addi %mul3A_136, %add3A_184 : i32
      %get3A_186 = arith.constant 0 : i32
      %get3A_187 = arith.constant 1 : i32
      %get3A_188 = arith.index_cast %get3A_186 : i32 to index
      %get3A_189 = arith.index_cast %get3A_187 : i32 to index
      %get3A_190 = arith.index_cast %add3A_185 : i32 to index
      %get3A_191 = tpu.vector_load %arg4[%get3A_188, %get3A_189, %get3A_190] {strides = array<i32>} : memref<4x2x2560xi32, #tpu.memory_space<vmem>>, vector<16xi32>,
      %add3A_192 = arith.constant 48 : i32
      %add3A_193 = arith.addi %mul3A_136, %add3A_192 : i32
      %get3A_194 = arith.constant 0 : i32
      %get3A_195 = arith.constant 1 : i32
      %get3A_196 = arith.index_cast %get3A_194 : i32 to index
      %get3A_197 = arith.index_cast %get3A_195 : i32 to index
      %get3A_198 = arith.index_cast %add3A_193 : i32 to index
      %get3A_199 = tpu.vector_load %arg4[%get3A_196, %get3A_197, %get3A_198] {strides = array<i32>} : memref<4x2x2560xi32, #tpu.memory_space<vmem>>, vector<16xi32>,
      tpu.vector_store_idx %arg5[%get3A_143], %broadcast_in_dim3A_110 {add = true} : memref<10000xi32, #tpu.memory_space<vmem>>[vector<16xi32>], vector<16xi32>,
      tpu.vector_store_idx %arg5[%get3A_151], %broadcast_in_dim3A_110 {add = true} : memref<10000xi32, #tpu.memory_space<vmem>>[vector<16xi32>], vector<16xi32>,
      tpu.vector_store_idx %arg5[%get3A_159], %broadcast_in_dim3A_110 {add = true} : memref<10000xi32, #tpu.memory_space<vmem>>[vector<16xi32>], vector<16xi32>,
      tpu.vector_store_idx %arg5[%get3A_167], %broadcast_in_dim3A_110 {add = true} : memref<10000xi32, #tpu.memory_space<vmem>>[vector<16xi32>], vector<16xi32>,
      tpu.vector_store_idx %arg6[%get3A_175], %broadcast_in_dim3A_110 {add = true} : memref<10000xi32, #tpu.memory_space<vmem>>[vector<16xi32>], vector<16xi32>,
      tpu.vector_store_idx %arg6[%get3A_183], %broadcast_in_dim3A_110 {add = true} : memref<10000xi32, #tpu.memory_space<vmem>>[vector<16xi32>], vector<16xi32>,
      tpu.vector_store_idx %arg6[%get3A_191], %broadcast_in_dim3A_110 {add = true} : memref<10000xi32, #tpu.memory_space<vmem>>[vector<16xi32>], vector<16xi32>,
      tpu.vector_store_idx %arg6[%get3A_199], %broadcast_in_dim3A_110 {add = true} : memref<10000xi32, #tpu.memory_space<vmem>>[vector<16xi32>], vector<16xi32>,
      %scan3A_200 = arith.constant 1 : i32
      %scan3A_201 = arith.addi %scan3A_134, %scan3A_200 : i32
      %mul3A_202 = arith.constant 64 : i32
      %mul3A_203 = arith.muli %scan3A_201, %mul3A_202 : i32
      %add3A_204 = arith.constant 0 : i32
      %add3A_205 = arith.addi %mul3A_203, %add3A_204 : i32
      %get3A_206 = arith.constant 0 : i32
      %get3A_207 = arith.constant 0 : i32
      %get3A_208 = arith.index_cast %get3A_206 : i32 to index
      %get3A_209 = arith.index_cast %get3A_207 : i32 to index
      %get3A_210 = arith.index_cast %add3A_205 : i32 to index
      %get3A_211 = tpu.vector_load %arg4[%get3A_208, %get3A_209, %get3A_210] {strides = array<i32>} : memref<4x2x2560xi32, #tpu.memory_space<vmem>>, vector<16xi32>,
      %add3A_212 = arith.constant 16 : i32
      %add3A_213 = arith.addi %mul3A_203, %add3A_212 : i32
      %get3A_214 = arith.constant 0 : i32
      %get3A_215 = arith.constant 0 : i32
      %get3A_216 = arith.index_cast %get3A_214 : i32 to index
      %get3A_217 = arith.index_cast %get3A_215 : i32 to index
      %get3A_218 = arith.index_cast %add3A_213 : i32 to index
      %get3A_219 = tpu.vector_load %arg4[%get3A_216, %get3A_217, %get3A_218] {strides = array<i32>} : memref<4x2x2560xi32, #tpu.memory_space<vmem>>, vector<16xi32>,
      %add3A_220 = arith.constant 32 : i32
      %add3A_221 = arith.addi %mul3A_203, %add3A_220 : i32
      %get3A_222 = arith.constant 0 : i32
      %get3A_223 = arith.constant 0 : i32
      %get3A_224 = arith.index_cast %get3A_222 : i32 to index
      %get3A_225 = arith.index_cast %get3A_223 : i32 to index
      %get3A_226 = arith.index_cast %add3A_221 : i32 to index
      %get3A_227 = tpu.vector_load %arg4[%get3A_224, %get3A_225, %get3A_226] {strides = array<i32>} : memref<4x2x2560xi32, #tpu.memory_space<vmem>>, vector<16xi32>,
      %add3A_228 = arith.constant 48 : i32
      %add3A_229 = arith.addi %mul3A_203, %add3A_228 : i32
      %get3A_230 = arith.constant 0 : i32
      %get3A_231 = arith.constant 0 : i32
      %get3A_232 = arith.index_cast %get3A_230 : i32 to index
      %get3A_233 = arith.index_cast %get3A_231 : i32 to index
      %get3A_234 = arith.index_cast %add3A_229 : i32 to index
      %get3A_235 = tpu.vector_load %arg4[%get3A_232, %get3A_233, %get3A_234] {strides = array<i32>} : memref<4x2x2560xi32, #tpu.memory_space<vmem>>, vector<16xi32>,
      %add3A_236 = arith.constant 0 : i32
      %add3A_237 = arith.addi %mul3A_203, %add3A_236 : i32
      %get3A_238 = arith.constant 0 : i32
      %get3A_239 = arith.constant 1 : i32
      %get3A_240 = arith.index_cast %get3A_238 : i32 to index
      %get3A_241 = arith.index_cast %get3A_239 : i32 to index
      %get3A_242 = arith.index_cast %add3A_237 : i32 to index
      %get3A_243 = tpu.vector_load %arg4[%get3A_240, %get3A_241, %get3A_242] {strides = array<i32>} : memref<4x2x2560xi32, #tpu.memory_space<vmem>>, vector<16xi32>,
      %add3A_244 = arith.constant 16 : i32
      %add3A_245 = arith.addi %mul3A_203, %add3A_244 : i32
      %get3A_246 = arith.constant 0 : i32
      %get3A_247 = arith.constant 1 : i32
      %get3A_248 = arith.index_cast %get3A_246 : i32 to index
      %get3A_249 = arith.index_cast %get3A_247 : i32 to index
      %get3A_250 = arith.index_cast %add3A_245 : i32 to index
      %get3A_251 = tpu.vector_load %arg4[%get3A_248, %get3A_249, %get3A_250] {strides = array<i32>} : memref<4x2x2560xi32, #tpu.memory_space<vmem>>, vector<16xi32>,
      %add3A_252 = arith.constant 32 : i32
      %add3A_253 = arith.addi %mul3A_203, %add3A_252 : i32
      %get3A_254 = arith.constant 0 : i32
      %get3A_255 = arith.constant 1 : i32
      %get3A_256 = arith.index_cast %get3A_254 : i32 to index
      %get3A_257 = arith.index_cast %get3A_255 : i32 to index
      %get3A_258 = arith.index_cast %add3A_253 : i32 to index
      %get3A_259 = tpu.vector_load %arg4[%get3A_256, %get3A_257, %get3A_258] {strides = array<i32>} : memref<4x2x2560xi32, #tpu.memory_space<vmem>>, vector<16xi32>,
      %add3A_260 = arith.constant 48 : i32
      %add3A_261 = arith.addi %mul3A_203, %add3A_260 : i32
      %get3A_262 = arith.constant 0 : i32
      %get3A_263 = arith.constant 1 : i32
      %get3A_264 = arith.index_cast %get3A_262 : i32 to index
      %get3A_265 = arith.index_cast %get3A_263 : i32 to index
      %get3A_266 = arith.index_cast %add3A_261 : i32 to index
      %get3A_267 = tpu.vector_load %arg4[%get3A_264, %get3A_265, %get3A_266] {strides = array<i32>} : memref<4x2x2560xi32, #tpu.memory_space<vmem>>, vector<16xi32>,
      tpu.vector_store_idx %arg5[%get3A_211], %broadcast_in_dim3A_110 {add = true} : memref<10000xi32, #tpu.memory_space<vmem>>[vector<16xi32>], vector<16xi32>,
      tpu.vector_store_idx %arg5[%get3A_219], %broadcast_in_dim3A_110 {add = true} : memref<10000xi32, #tpu.memory_space<vmem>>[vector<16xi32>], vector<16xi32>,
      tpu.vector_store_idx %arg5[%get3A_227], %broadcast_in_dim3A_110 {add = true} : memref<10000xi32, #tpu.memory_space<vmem>>[vector<16xi32>], vector<16xi32>,
      tpu.vector_store_idx %arg5[%get3A_235], %broadcast_in_dim3A_110 {add = true} : memref<10000xi32, #tpu.memory_space<vmem>>[vector<16xi32>], vector<16xi32>,
      tpu.vector_store_idx %arg6[%get3A_243], %broadcast_in_dim3A_110 {add = true} : memref<10000xi32, #tpu.memory_space<vmem>>[vector<16xi32>], vector<16xi32>,
      tpu.vector_store_idx %arg6[%get3A_251], %broadcast_in_dim3A_110 {add = true} : memref<10000xi32, #tpu.memory_space<vmem>>[vector<16xi32>], vector<16xi32>,
      tpu.vector_store_idx %arg6[%get3A_259], %broadcast_in_dim3A_110 {add = true} : memref<10000xi32, #tpu.memory_space<vmem>>[vector<16xi32>], vector<16xi32>,
      tpu.vector_store_idx %arg6[%get3A_267], %broadcast_in_dim3A_110 {add = true} : memref<10000xi32, #tpu.memory_space<vmem>>[vector<16xi32>], vector<16xi32>,
      %scan3A_268 = arith.constant 2 : i32
      %scan3A_269 = arith.addi %scan3A_134, %scan3A_268 : i32
      %mul3A_270 = arith.constant 64 : i32
      %mul3A_271 = arith.muli %scan3A_269, %mul3A_270 : i32
      %add3A_272 = arith.constant 0 : i32
      %add3A_273 = arith.addi %mul3A_271, %add3A_272 : i32
      %get3A_274 = arith.constant 0 : i32
      %get3A_275 = arith.constant 0 : i32
      %get3A_276 = arith.index_cast %get3A_274 : i32 to index
      %get3A_277 = arith.index_cast %get3A_275 : i32 to index
      %get3A_278 = arith.index_cast %add3A_273 : i32 to index
      %get3A_279 = tpu.vector_load %arg4[%get3A_276, %get3A_277, %get3A_278] {strides = array<i32>} : memref<4x2x2560xi32, #tpu.memory_space<vmem>>, vector<16xi32>,
      %add3A_280 = arith.constant 16 : i32
      %add3A_281 = arith.addi %mul3A_271, %add3A_280 : i32
      %get3A_282 = arith.constant 0 : i32
      %get3A_283 = arith.constant 0 : i32
      %get3A_284 = arith.index_cast %get3A_282 : i32 to index
      %get3A_285 = arith.index_cast %get3A_283 : i32 to index
      %get3A_286 = arith.index_cast %add3A_281 : i32 to index
      %get3A_287 = tpu.vector_load %arg4[%get3A_284, %get3A_285, %get3A_286] {strides = array<i32>} : memref<4x2x2560xi32, #tpu.memory_space<vmem>>, vector<16xi32>,
      %add3A_288 = arith.constant 32 : i32
      %add3A_289 = arith.addi %mul3A_271, %add3A_288 : i32
      %get3A_290 = arith.constant 0 : i32
      %get3A_291 = arith.constant 0 : i32
      %get3A_292 = arith.index_cast %get3A_290 : i32 to index
      %get3A_293 = arith.index_cast %get3A_291 : i32 to index
      %get3A_294 = arith.index_cast %add3A_289 : i32 to index
      %get3A_295 = tpu.vector_load %arg4[%get3A_292, %get3A_293, %get3A_294] {strides = array<i32>} : memref<4x2x2560xi32, #tpu.memory_space<vmem>>, vector<16xi32>,
      %add3A_296 = arith.constant 48 : i32
      %add3A_297 = arith.addi %mul3A_271, %add3A_296 : i32
      %get3A_298 = arith.constant 0 : i32
      %get3A_299 = arith.constant 0 : i32
      %get3A_300 = arith.index_cast %get3A_298 : i32 to index
      %get3A_301 = arith.index_cast %get3A_299 : i32 to index
      %get3A_302 = arith.index_cast %add3A_297 : i32 to index
      %get3A_303 = tpu.vector_load %arg4[%get3A_300, %get3A_301, %get3A_302] {strides = array<i32>} : memref<4x2x2560xi32, #tpu.memory_space<vmem>>, vector<16xi32>,
      %add3A_304 = arith.constant 0 : i32
      %add3A_305 = arith.addi %mul3A_271, %add3A_304 : i32
      %get3A_306 = arith.constant 0 : i32
      %get3A_307 = arith.constant 1 : i32
      %get3A_308 = arith.index_cast %get3A_306 : i32 to index
      %get3A_309 = arith.index_cast %get3A_307 : i32 to index
      %get3A_310 = arith.index_cast %add3A_305 : i32 to index
      %get3A_311 = tpu.vector_load %arg4[%get3A_308, %get3A_309, %get3A_310] {strides = array<i32>} : memref<4x2x2560xi32, #tpu.memory_space<vmem>>, vector<16xi32>,
      %add3A_312 = arith.constant 16 : i32
      %add3A_313 = arith.addi %mul3A_271, %add3A_312 : i32
      %get3A_314 = arith.constant 0 : i32
      %get3A_315 = arith.constant 1 : i32
      %get3A_316 = arith.index_cast %get3A_314 : i32 to index
      %get3A_317 = arith.index_cast %get3A_315 : i32 to index
      %get3A_318 = arith.index_cast %add3A_313 : i32 to index
      %get3A_319 = tpu.vector_load %arg4[%get3A_316, %get3A_317, %get3A_318] {strides = array<i32>} : memref<4x2x2560xi32, #tpu.memory_space<vmem>>, vector<16xi32>,
      %add3A_320 = arith.constant 32 : i32
      %add3A_321 = arith.addi %mul3A_271, %add3A_320 : i32
      %get3A_322 = arith.constant 0 : i32
      %get3A_323 = arith.constant 1 : i32
      %get3A_324 = arith.index_cast %get3A_322 : i32 to index
      %get3A_325 = arith.index_cast %get3A_323 : i32 to index
      %get3A_326 = arith.index_cast %add3A_321 : i32 to index
      %get3A_327 = tpu.vector_load %arg4[%get3A_324, %get3A_325, %get3A_326] {strides = array<i32>} : memref<4x2x2560xi32, #tpu.memory_space<vmem>>, vector<16xi32>,
      %add3A_328 = arith.constant 48 : i32
      %add3A_329 = arith.addi %mul3A_271, %add3A_328 : i32
      %get3A_330 = arith.constant 0 : i32
      %get3A_331 = arith.constant 1 : i32
      %get3A_332 = arith.index_cast %get3A_330 : i32 to index
      %get3A_333 = arith.index_cast %get3A_331 : i32 to index
      %get3A_334 = arith.index_cast %add3A_329 : i32 to index
      %get3A_335 = tpu.vector_load %arg4[%get3A_332, %get3A_333, %get3A_334] {strides = array<i32>} : memref<4x2x2560xi32, #tpu.memory_space<vmem>>, vector<16xi32>,
      tpu.vector_store_idx %arg5[%get3A_279], %broadcast_in_dim3A_110 {add = true} : memref<10000xi32, #tpu.memory_space<vmem>>[vector<16xi32>], vector<16xi32>,
      tpu.vector_store_idx %arg5[%get3A_287], %broadcast_in_dim3A_110 {add = true} : memref<10000xi32, #tpu.memory_space<vmem>>[vector<16xi32>], vector<16xi32>,
      tpu.vector_store_idx %arg5[%get3A_295], %broadcast_in_dim3A_110 {add = true} : memref<10000xi32, #tpu.memory_space<vmem>>[vector<16xi32>], vector<16xi32>,
      tpu.vector_store_idx %arg5[%get3A_303], %broadcast_in_dim3A_110 {add = true} : memref<10000xi32, #tpu.memory_space<vmem>>[vector<16xi32>], vector<16xi32>,
      tpu.vector_store_idx %arg6[%get3A_311], %broadcast_in_dim3A_110 {add = true} : memref<10000xi32, #tpu.memory_space<vmem>>[vector<16xi32>], vector<16xi32>,
      tpu.vector_store_idx %arg6[%get3A_319], %broadcast_in_dim3A_110 {add = true} : memref<10000xi32, #tpu.memory_space<vmem>>[vector<16xi32>], vector<16xi32>,
      tpu.vector_store_idx %arg6[%get3A_327], %broadcast_in_dim3A_110 {add = true} : memref<10000xi32, #tpu.memory_space<vmem>>[vector<16xi32>], vector<16xi32>,
      tpu.vector_store_idx %arg6[%get3A_335], %broadcast_in_dim3A_110 {add = true} : memref<10000xi32, #tpu.memory_space<vmem>>[vector<16xi32>], vector<16xi32>,
      %scan3A_336 = arith.constant 3 : i32
      %scan3A_337 = arith.addi %scan3A_134, %scan3A_336 : i32
      %mul3A_338 = arith.constant 64 : i32
      %mul3A_339 = arith.muli %scan3A_337, %mul3A_338 : i32
      %add3A_340 = arith.constant 0 : i32
      %add3A_341 = arith.addi %mul3A_339, %add3A_340 : i32
      %get3A_342 = arith.constant 0 : i32
      %get3A_343 = arith.constant 0 : i32
      %get3A_344 = arith.index_cast %get3A_342 : i32 to index
      %get3A_345 = arith.index_cast %get3A_343 : i32 to index
      %get3A_346 = arith.index_cast %add3A_341 : i32 to index
      %get3A_347 = tpu.vector_load %arg4[%get3A_344, %get3A_345, %get3A_346] {strides = array<i32>} : memref<4x2x2560xi32, #tpu.memory_space<vmem>>, vector<16xi32>,
      %add3A_348 = arith.constant 16 : i32
      %add3A_349 = arith.addi %mul3A_339, %add3A_348 : i32
      %get3A_350 = arith.constant 0 : i32
      %get3A_351 = arith.constant 0 : i32
      %get3A_352 = arith.index_cast %get3A_350 : i32 to index
      %get3A_353 = arith.index_cast %get3A_351 : i32 to index
      %get3A_354 = arith.index_cast %add3A_349 : i32 to index
      %get3A_355 = tpu.vector_load %arg4[%get3A_352, %get3A_353, %get3A_354] {strides = array<i32>} : memref<4x2x2560xi32, #tpu.memory_space<vmem>>, vector<16xi32>,
      %add3A_356 = arith.constant 32 : i32
      %add3A_357 = arith.addi %mul3A_339, %add3A_356 : i32
      %get3A_358 = arith.constant 0 : i32
      %get3A_359 = arith.constant 0 : i32
      %get3A_360 = arith.index_cast %get3A_358 : i32 to index
      %get3A_361 = arith.index_cast %get3A_359 : i32 to index
      %get3A_362 = arith.index_cast %add3A_357 : i32 to index
      %get3A_363 = tpu.vector_load %arg4[%get3A_360, %get3A_361, %get3A_362] {strides = array<i32>} : memref<4x2x2560xi32, #tpu.memory_space<vmem>>, vector<16xi32>,
      %add3A_364 = arith.constant 48 : i32
      %add3A_365 = arith.addi %mul3A_339, %add3A_364 : i32
      %get3A_366 = arith.constant 0 : i32
      %get3A_367 = arith.constant 0 : i32
      %get3A_368 = arith.index_cast %get3A_366 : i32 to index
      %get3A_369 = arith.index_cast %get3A_367 : i32 to index
      %get3A_370 = arith.index_cast %add3A_365 : i32 to index
      %get3A_371 = tpu.vector_load %arg4[%get3A_368, %get3A_369, %get3A_370] {strides = array<i32>} : memref<4x2x2560xi32, #tpu.memory_space<vmem>>, vector<16xi32>,
      %add3A_372 = arith.constant 0 : i32
      %add3A_373 = arith.addi %mul3A_339, %add3A_372 : i32
      %get3A_374 = arith.constant 0 : i32
      %get3A_375 = arith.constant 1 : i32
      %get3A_376 = arith.index_cast %get3A_374 : i32 to index
      %get3A_377 = arith.index_cast %get3A_375 : i32 to index
      %get3A_378 = arith.index_cast %add3A_373 : i32 to index
      %get3A_379 = tpu.vector_load %arg4[%get3A_376, %get3A_377, %get3A_378] {strides = array<i32>} : memref<4x2x2560xi32, #tpu.memory_space<vmem>>, vector<16xi32>,
      %add3A_380 = arith.constant 16 : i32
      %add3A_381 = arith.addi %mul3A_339, %add3A_380 : i32
      %get3A_382 = arith.constant 0 : i32
      %get3A_383 = arith.constant 1 : i32
      %get3A_384 = arith.index_cast %get3A_382 : i32 to index
      %get3A_385 = arith.index_cast %get3A_383 : i32 to index
      %get3A_386 = arith.index_cast %add3A_381 : i32 to index
      %get3A_387 = tpu.vector_load %arg4[%get3A_384, %get3A_385, %get3A_386] {strides = array<i32>} : memref<4x2x2560xi32, #tpu.memory_space<vmem>>, vector<16xi32>,
      %add3A_388 = arith.constant 32 : i32
      %add3A_389 = arith.addi %mul3A_339, %add3A_388 : i32
      %get3A_390 = arith.constant 0 : i32
      %get3A_391 = arith.constant 1 : i32
      %get3A_392 = arith.index_cast %get3A_390 : i32 to index
      %get3A_393 = arith.index_cast %get3A_391 : i32 to index
      %get3A_394 = arith.index_cast %add3A_389 : i32 to index
      %get3A_395 = tpu.vector_load %arg4[%get3A_392, %get3A_393, %get3A_394] {strides = array<i32>} : memref<4x2x2560xi32, #tpu.memory_space<vmem>>, vector<16xi32>,
      %add3A_396 = arith.constant 48 : i32
      %add3A_397 = arith.addi %mul3A_339, %add3A_396 : i32
      %get3A_398 = arith.constant 0 : i32
      %get3A_399 = arith.constant 1 : i32
      %get3A_400 = arith.index_cast %get3A_398 : i32 to index
      %get3A_401 = arith.index_cast %get3A_399 : i32 to index
      %get3A_402 = arith.index_cast %add3A_397 : i32 to index
      %get3A_403 = tpu.vector_load %arg4[%get3A_400, %get3A_401, %get3A_402] {strides = array<i32>} : memref<4x2x2560xi32, #tpu.memory_space<vmem>>, vector<16xi32>,
      tpu.vector_store_idx %arg5[%get3A_347], %broadcast_in_dim3A_110 {add = true} : memref<10000xi32, #tpu.memory_space<vmem>>[vector<16xi32>], vector<16xi32>,
      tpu.vector_store_idx %arg5[%get3A_355], %broadcast_in_dim3A_110 {add = true} : memref<10000xi32, #tpu.memory_space<vmem>>[vector<16xi32>], vector<16xi32>,
      tpu.vector_store_idx %arg5[%get3A_363], %broadcast_in_dim3A_110 {add = true} : memref<10000xi32, #tpu.memory_space<vmem>>[vector<16xi32>], vector<16xi32>,
      tpu.vector_store_idx %arg5[%get3A_371], %broadcast_in_dim3A_110 {add = true} : memref<10000xi32, #tpu.memory_space<vmem>>[vector<16xi32>], vector<16xi32>,
      tpu.vector_store_idx %arg6[%get3A_379], %broadcast_in_dim3A_110 {add = true} : memref<10000xi32, #tpu.memory_space<vmem>>[vector<16xi32>], vector<16xi32>,
      tpu.vector_store_idx %arg6[%get3A_387], %broadcast_in_dim3A_110 {add = true} : memref<10000xi32, #tpu.memory_space<vmem>>[vector<16xi32>], vector<16xi32>,
      tpu.vector_store_idx %arg6[%get3A_395], %broadcast_in_dim3A_110 {add = true} : memref<10000xi32, #tpu.memory_space<vmem>>[vector<16xi32>], vector<16xi32>,
      tpu.vector_store_idx %arg6[%get3A_403], %broadcast_in_dim3A_110 {add = true} : memref<10000xi32, #tpu.memory_space<vmem>>[vector<16xi32>], vector<16xi32>,
    }
    %scan3A_116 = arith.constant 40 : i32
    %scan3A_117 = arith.constant 0 : i32
    %scan3A_118 = arith.constant 0 : i32
    %scan3A_119 = arith.constant 40 : i32
    %scan3A_120 = arith.addi %scan3A_118, %scan3A_119 : i32
    %scan3A_121 = arith.constant 4 : i32
    scf.for %scan3A_134 = %scan3A_118 to %scan3A_120 step %scan3A_121  : i32 {
      %mul3A_135 = arith.constant 64 : i32
      %mul3A_136 = arith.muli %scan3A_134, %mul3A_135 : i32
      %add3A_137 = arith.constant 0 : i32
      %add3A_138 = arith.addi %mul3A_136, %add3A_137 : i32
      %get3A = arith.constant 1 : i32
      %get3A_139 = arith.constant 0 : i32
      %get3A_140 = arith.index_cast %get3A : i32 to index
      %get3A_141 = arith.index_cast %get3A_139 : i32 to index
      %get3A_142 = arith.index_cast %add3A_138 : i32 to index
      %get3A_143 = tpu.vector_load %arg4[%get3A_140, %get3A_141, %get3A_142] {strides = array<i32>} : memref<4x2x2560xi32, #tpu.memory_space<vmem>>, vector<16xi32>,
      %add3A_144 = arith.constant 16 : i32
      %add3A_145 = arith.addi %mul3A_136, %add3A_144 : i32
      %get3A_146 = arith.constant 1 : i32
      %get3A_147 = arith.constant 0 : i32
      %get3A_148 = arith.index_cast %get3A_146 : i32 to index
      %get3A_149 = arith.index_cast %get3A_147 : i32 to index
      %get3A_150 = arith.index_cast %add3A_145 : i32 to index
      %get3A_151 = tpu.vector_load %arg4[%get3A_148, %get3A_149, %get3A_150] {strides = array<i32>} : memref<4x2x2560xi32, #tpu.memory_space<vmem>>, vector<16xi32>,
      %add3A_152 = arith.constant 32 : i32
      %add3A_153 = arith.addi %mul3A_136, %add3A_152 : i32
      %get3A_154 = arith.constant 1 : i32
      %get3A_155 = arith.constant 0 : i32
      %get3A_156 = arith.index_cast %get3A_154 : i32 to index
      %get3A_157 = arith.index_cast %get3A_155 : i32 to index
      %get3A_158 = arith.index_cast %add3A_153 : i32 to index
      %get3A_159 = tpu.vector_load %arg4[%get3A_156, %get3A_157, %get3A_158] {strides = array<i32>} : memref<4x2x2560xi32, #tpu.memory_space<vmem>>, vector<16xi32>,
      %add3A_160 = arith.constant 48 : i32
      %add3A_161 = arith.addi %mul3A_136, %add3A_160 : i32
      %get3A_162 = arith.constant 1 : i32
      %get3A_163 = arith.constant 0 : i32
      %get3A_164 = arith.index_cast %get3A_162 : i32 to index
      %get3A_165 = arith.index_cast %get3A_163 : i32 to index
      %get3A_166 = arith.index_cast %add3A_161 : i32 to index
      %get3A_167 = tpu.vector_load %arg4[%get3A_164, %get3A_165, %get3A_166] {strides = array<i32>} : memref<4x2x2560xi32, #tpu.memory_space<vmem>>, vector<16xi32>,
      %add3A_168 = arith.constant 0 : i32
      %add3A_169 = arith.addi %mul3A_136, %add3A_168 : i32
      %get3A_170 = arith.constant 1 : i32
      %get3A_171 = arith.constant 1 : i32
      %get3A_172 = arith.index_cast %get3A_170 : i32 to index
      %get3A_173 = arith.index_cast %get3A_171 : i32 to index
      %get3A_174 = arith.index_cast %add3A_169 : i32 to index
      %get3A_175 = tpu.vector_load %arg4[%get3A_172, %get3A_173, %get3A_174] {strides = array<i32>} : memref<4x2x2560xi32, #tpu.memory_space<vmem>>, vector<16xi32>,
      %add3A_176 = arith.constant 16 : i32
      %add3A_177 = arith.addi %mul3A_136, %add3A_176 : i32
      %get3A_178 = arith.constant 1 : i32
      %get3A_179 = arith.constant 1 : i32
      %get3A_180 = arith.index_cast %get3A_178 : i32 to index
      %get3A_181 = arith.index_cast %get3A_179 : i32 to index
      %get3A_182 = arith.index_cast %add3A_177 : i32 to index
      %get3A_183 = tpu.vector_load %arg4[%get3A_180, %get3A_181, %get3A_182] {strides = array<i32>} : memref<4x2x2560xi32, #tpu.memory_space<vmem>>, vector<16xi32>,
      %add3A_184 = arith.constant 32 : i32
      %add3A_185 = arith.addi %mul3A_136, %add3A_184 : i32
      %get3A_186 = arith.constant 1 : i32
      %get3A_187 = arith.constant 1 : i32
      %get3A_188 = arith.index_cast %get3A_186 : i32 to index
      %get3A_189 = arith.index_cast %get3A_187 : i32 to index
      %get3A_190 = arith.index_cast %add3A_185 : i32 to index
      %get3A_191 = tpu.vector_load %arg4[%get3A_188, %get3A_189, %get3A_190] {strides = array<i32>} : memref<4x2x2560xi32, #tpu.memory_space<vmem>>, vector<16xi32>,
      %add3A_192 = arith.constant 48 : i32
      %add3A_193 = arith.addi %mul3A_136, %add3A_192 : i32
      %get3A_194 = arith.constant 1 : i32
      %get3A_195 = arith.constant 1 : i32
      %get3A_196 = arith.index_cast %get3A_194 : i32 to index
      %get3A_197 = arith.index_cast %get3A_195 : i32 to index
      %get3A_198 = arith.index_cast %add3A_193 : i32 to index
      %get3A_199 = tpu.vector_load %arg4[%get3A_196, %get3A_197, %get3A_198] {strides = array<i32>} : memref<4x2x2560xi32, #tpu.memory_space<vmem>>, vector<16xi32>,
      tpu.vector_store_idx %arg5[%get3A_143], %broadcast_in_dim3A_110 {add = true} : memref<10000xi32, #tpu.memory_space<vmem>>[vector<16xi32>], vector<16xi32>,
      tpu.vector_store_idx %arg5[%get3A_151], %broadcast_in_dim3A_110 {add = true} : memref<10000xi32, #tpu.memory_space<vmem>>[vector<16xi32>], vector<16xi32>,
      tpu.vector_store_idx %arg5[%get3A_159], %broadcast_in_dim3A_110 {add = true} : memref<10000xi32, #tpu.memory_space<vmem>>[vector<16xi32>], vector<16xi32>,
      tpu.vector_store_idx %arg5[%get3A_167], %broadcast_in_dim3A_110 {add = true} : memref<10000xi32, #tpu.memory_space<vmem>>[vector<16xi32>], vector<16xi32>,
      tpu.vector_store_idx %arg6[%get3A_175], %broadcast_in_dim3A_110 {add = true} : memref<10000xi32, #tpu.memory_space<vmem>>[vector<16xi32>], vector<16xi32>,
      tpu.vector_store_idx %arg6[%get3A_183], %broadcast_in_dim3A_110 {add = true} : memref<10000xi32, #tpu.memory_space<vmem>>[vector<16xi32>], vector<16xi32>,
      tpu.vector_store_idx %arg6[%get3A_191], %broadcast_in_dim3A_110 {add = true} : memref<10000xi32, #tpu.memory_space<vmem>>[vector<16xi32>], vector<16xi32>,
      tpu.vector_store_idx %arg6[%get3A_199], %broadcast_in_dim3A_110 {add = true} : memref<10000xi32, #tpu.memory_space<vmem>>[vector<16xi32>], vector<16xi32>,
      %scan3A_200 = arith.constant 1 : i32
      %scan3A_201 = arith.addi %scan3A_134, %scan3A_200 : i32
      %mul3A_202 = arith.constant 64 : i32
      %mul3A_203 = arith.muli %scan3A_201, %mul3A_202 : i32
      %add3A_204 = arith.constant 0 : i32
      %add3A_205 = arith.addi %mul3A_203, %add3A_204 : i32
      %get3A_206 = arith.constant 1 : i32
      %get3A_207 = arith.constant 0 : i32
      %get3A_208 = arith.index_cast %get3A_206 : i32 to index
      %get3A_209 = arith.index_cast %get3A_207 : i32 to index
      %get3A_210 = arith.index_cast %add3A_205 : i32 to index
      %get3A_211 = tpu.vector_load %arg4[%get3A_208, %get3A_209, %get3A_210] {strides = array<i32>} : memref<4x2x2560xi32, #tpu.memory_space<vmem>>, vector<16xi32>,
      %add3A_212 = arith.constant 16 : i32
      %add3A_213 = arith.addi %mul3A_203, %add3A_212 : i32
      %get3A_214 = arith.constant 1 : i32
      %get3A_215 = arith.constant 0 : i32
      %get3A_216 = arith.index_cast %get3A_214 : i32 to index
      %get3A_217 = arith.index_cast %get3A_215 : i32 to index
      %get3A_218 = arith.index_cast %add3A_213 : i32 to index
      %get3A_219 = tpu.vector_load %arg4[%get3A_216, %get3A_217, %get3A_218] {strides = array<i32>} : memref<4x2x2560xi32, #tpu.memory_space<vmem>>, vector<16xi32>,
      %add3A_220 = arith.constant 32 : i32
      %add3A_221 = arith.addi %mul3A_203, %add3A_220 : i32
      %get3A_222 = arith.constant 1 : i32
      %get3A_223 = arith.constant 0 : i32
      %get3A_224 = arith.index_cast %get3A_222 : i32 to index
      %get3A_225 = arith.index_cast %get3A_223 : i32 to index
      %get3A_226 = arith.index_cast %add3A_221 : i32 to index
      %get3A_227 = tpu.vector_load %arg4[%get3A_224, %get3A_225, %get3A_226] {strides = array<i32>} : memref<4x2x2560xi32, #tpu.memory_space<vmem>>, vector<16xi32>,
      %add3A_228 = arith.constant 48 : i32
      %add3A_229 = arith.addi %mul3A_203, %add3A_228 : i32
      %get3A_230 = arith.constant 1 : i32
      %get3A_231 = arith.constant 0 : i32
      %get3A_232 = arith.index_cast %get3A_230 : i32 to index
      %get3A_233 = arith.index_cast %get3A_231 : i32 to index
      %get3A_234 = arith.index_cast %add3A_229 : i32 to index
      %get3A_235 = tpu.vector_load %arg4[%get3A_232, %get3A_233, %get3A_234] {strides = array<i32>} : memref<4x2x2560xi32, #tpu.memory_space<vmem>>, vector<16xi32>,
      %add3A_236 = arith.constant 0 : i32
      %add3A_237 = arith.addi %mul3A_203, %add3A_236 : i32
      %get3A_238 = arith.constant 1 : i32
      %get3A_239 = arith.constant 1 : i32
      %get3A_240 = arith.index_cast %get3A_238 : i32 to index
      %get3A_241 = arith.index_cast %get3A_239 : i32 to index
      %get3A_242 = arith.index_cast %add3A_237 : i32 to index
      %get3A_243 = tpu.vector_load %arg4[%get3A_240, %get3A_241, %get3A_242] {strides = array<i32>} : memref<4x2x2560xi32, #tpu.memory_space<vmem>>, vector<16xi32>,
      %add3A_244 = arith.constant 16 : i32
      %add3A_245 = arith.addi %mul3A_203, %add3A_244 : i32
      %get3A_246 = arith.constant 1 : i32
      %get3A_247 = arith.constant 1 : i32
      %get3A_248 = arith.index_cast %get3A_246 : i32 to index
      %get3A_249 = arith.index_cast %get3A_247 : i32 to index
      %get3A_250 = arith.index_cast %add3A_245 : i32 to index
      %get3A_251 = tpu.vector_load %arg4[%get3A_248, %get3A_249, %get3A_250] {strides = array<i32>} : memref<4x2x2560xi32, #tpu.memory_space<vmem>>, vector<16xi32>,
      %add3A_252 = arith.constant 32 : i32
      %add3A_253 = arith.addi %mul3A_203, %add3A_252 : i32
      %get3A_254 = arith.constant 1 : i32
      %get3A_255 = arith.constant 1 : i32
      %get3A_256 = arith.index_cast %get3A_254 : i32 to index
      %get3A_257 = arith.index_cast %get3A_255 : i32 to index
      %get3A_258 = arith.index_cast %add3A_253 : i32 to index
      %get3A_259 = tpu.vector_load %arg4[%get3A_256, %get3A_257, %get3A_258] {strides = array<i32>} : memref<4x2x2560xi32, #tpu.memory_space<vmem>>, vector<16xi32>,
      %add3A_260 = arith.constant 48 : i32
      %add3A_261 = arith.addi %mul3A_203, %add3A_260 : i32
      %get3A_262 = arith.constant 1 : i32
      %get3A_263 = arith.constant 1 : i32
      %get3A_264 = arith.index_cast %get3A_262 : i32 to index
      %get3A_265 = arith.index_cast %get3A_263 : i32 to index
      %get3A_266 = arith.index_cast %add3A_261 : i32 to index
      %get3A_267 = tpu.vector_load %arg4[%get3A_264, %get3A_265, %get3A_266] {strides = array<i32>} : memref<4x2x2560xi32, #tpu.memory_space<vmem>>, vector<16xi32>,
      tpu.vector_store_idx %arg5[%get3A_211], %broadcast_in_dim3A_110 {add = true} : memref<10000xi32, #tpu.memory_space<vmem>>[vector<16xi32>], vector<16xi32>,
      tpu.vector_store_idx %arg5[%get3A_219], %broadcast_in_dim3A_110 {add = true} : memref<10000xi32, #tpu.memory_space<vmem>>[vector<16xi32>], vector<16xi32>,
      tpu.vector_store_idx %arg5[%get3A_227], %broadcast_in_dim3A_110 {add = true} : memref<10000xi32, #tpu.memory_space<vmem>>[vector<16xi32>], vector<16xi32>,
      tpu.vector_store_idx %arg5[%get3A_235], %broadcast_in_dim3A_110 {add = true} : memref<10000xi32, #tpu.memory_space<vmem>>[vector<16xi32>], vector<16xi32>,
      tpu.vector_store_idx %arg6[%get3A_243], %broadcast_in_dim3A_110 {add = true} : memref<10000xi32, #tpu.memory_space<vmem>>[vector<16xi32>], vector<16xi32>,
      tpu.vector_store_idx %arg6[%get3A_251], %broadcast_in_dim3A_110 {add = true} : memref<10000xi32, #tpu.memory_space<vmem>>[vector<16xi32>], vector<16xi32>,
      tpu.vector_store_idx %arg6[%get3A_259], %broadcast_in_dim3A_110 {add = true} : memref<10000xi32, #tpu.memory_space<vmem>>[vector<16xi32>], vector<16xi32>,
      tpu.vector_store_idx %arg6[%get3A_267], %broadcast_in_dim3A_110 {add = true} : memref<10000xi32, #tpu.memory_space<vmem>>[vector<16xi32>], vector<16xi32>,
      %scan3A_268 = arith.constant 2 : i32
      %scan3A_269 = arith.addi %scan3A_134, %scan3A_268 : i32
      %mul3A_270 = arith.constant 64 : i32
      %mul3A_271 = arith.muli %scan3A_269, %mul3A_270 : i32
      %add3A_272 = arith.constant 0 : i32
      %add3A_273 = arith.addi %mul3A_271, %add3A_272 : i32
      %get3A_274 = arith.constant 1 : i32
      %get3A_275 = arith.constant 0 : i32
      %get3A_276 = arith.index_cast %get3A_274 : i32 to index
      %get3A_277 = arith.index_cast %get3A_275 : i32 to index
      %get3A_278 = arith.index_cast %add3A_273 : i32 to index
      %get3A_279 = tpu.vector_load %arg4[%get3A_276, %get3A_277, %get3A_278] {strides = array<i32>} : memref<4x2x2560xi32, #tpu.memory_space<vmem>>, vector<16xi32>,
      %add3A_280 = arith.constant 16 : i32
      %add3A_281 = arith.addi %mul3A_271, %add3A_280 : i32
      %get3A_282 = arith.constant 1 : i32
      %get3A_283 = arith.constant 0 : i32
      %get3A_284 = arith.index_cast %get3A_282 : i32 to index
      %get3A_285 = arith.index_cast %get3A_283 : i32 to index
      %get3A_286 = arith.index_cast %add3A_281 : i32 to index
      %get3A_287 = tpu.vector_load %arg4[%get3A_284, %get3A_285, %get3A_286] {strides = array<i32>} : memref<4x2x2560xi32, #tpu.memory_space<vmem>>, vector<16xi32>,
      %add3A_288 = arith.constant 32 : i32
      %add3A_289 = arith.addi %mul3A_271, %add3A_288 : i32
      %get3A_290 = arith.constant 1 : i32
      %get3A_291 = arith.constant 0 : i32
      %get3A_292 = arith.index_cast %get3A_290 : i32 to index
      %get3A_293 = arith.index_cast %get3A_291 : i32 to index
      %get3A_294 = arith.index_cast %add3A_289 : i32 to index
      %get3A_295 = tpu.vector_load %arg4[%get3A_292, %get3A_293, %get3A_294] {strides = array<i32>} : memref<4x2x2560xi32, #tpu.memory_space<vmem>>, vector<16xi32>,
      %add3A_296 = arith.constant 48 : i32
      %add3A_297 = arith.addi %mul3A_271, %add3A_296 : i32
      %get3A_298 = arith.constant 1 : i32
      %get3A_299 = arith.constant 0 : i32
      %get3A_300 = arith.index_cast %get3A_298 : i32 to index
      %get3A_301 = arith.index_cast %get3A_299 : i32 to index
      %get3A_302 = arith.index_cast %add3A_297 : i32 to index
      %get3A_303 = tpu.vector_load %arg4[%get3A_300, %get3A_301, %get3A_302] {strides = array<i32>} : memref<4x2x2560xi32, #tpu.memory_space<vmem>>, vector<16xi32>,
      %add3A_304 = arith.constant 0 : i32
      %add3A_305 = arith.addi %mul3A_271, %add3A_304 : i32
      %get3A_306 = arith.constant 1 : i32
      %get3A_307 = arith.constant 1 : i32
      %get3A_308 = arith.index_cast %get3A_306 : i32 to index
      %get3A_309 = arith.index_cast %get3A_307 : i32 to index
      %get3A_310 = arith.index_cast %add3A_305 : i32 to index
      %get3A_311 = tpu.vector_load %arg4[%get3A_308, %get3A_309, %get3A_310] {strides = array<i32>} : memref<4x2x2560xi32, #tpu.memory_space<vmem>>, vector<16xi32>,
      %add3A_312 = arith.constant 16 : i32
      %add3A_313 = arith.addi %mul3A_271, %add3A_312 : i32
      %get3A_314 = arith.constant 1 : i32
      %get3A_315 = arith.constant 1 : i32
      %get3A_316 = arith.index_cast %get3A_314 : i32 to index
      %get3A_317 = arith.index_cast %get3A_315 : i32 to index
      %get3A_318 = arith.index_cast %add3A_313 : i32 to index
      %get3A_319 = tpu.vector_load %arg4[%get3A_316, %get3A_317, %get3A_318] {strides = array<i32>} : memref<4x2x2560xi32, #tpu.memory_space<vmem>>, vector<16xi32>,
      %add3A_320 = arith.constant 32 : i32
      %add3A_321 = arith.addi %mul3A_271, %add3A_320 : i32
      %get3A_322 = arith.constant 1 : i32
      %get3A_323 = arith.constant 1 : i32
      %get3A_324 = arith.index_cast %get3A_322 : i32 to index
      %get3A_325 = arith.index_cast %get3A_323 : i32 to index
      %get3A_326 = arith.index_cast %add3A_321 : i32 to index
      %get3A_327 = tpu.vector_load %arg4[%get3A_324, %get3A_325, %get3A_326] {strides = array<i32>} : memref<4x2x2560xi32, #tpu.memory_space<vmem>>, vector<16xi32>,
      %add3A_328 = arith.constant 48 : i32
      %add3A_329 = arith.addi %mul3A_271, %add3A_328 : i32
      %get3A_330 = arith.constant 1 : i32
      %get3A_331 = arith.constant 1 : i32
      %get3A_332 = arith.index_cast %get3A_330 : i32 to index
      %get3A_333 = arith.index_cast %get3A_331 : i32 to index
      %get3A_334 = arith.index_cast %add3A_329 : i32 to index
      %get3A_335 = tpu.vector_load %arg4[%get3A_332, %get3A_333, %get3A_334] {strides = array<i32>} : memref<4x2x2560xi32, #tpu.memory_space<vmem>>, vector<16xi32>,
      tpu.vector_store_idx %arg5[%get3A_279], %broadcast_in_dim3A_110 {add = true} : memref<10000xi32, #tpu.memory_space<vmem>>[vector<16xi32>], vector<16xi32>,
      tpu.vector_store_idx %arg5[%get3A_287], %broadcast_in_dim3A_110 {add = true} : memref<10000xi32, #tpu.memory_space<vmem>>[vector<16xi32>], vector<16xi32>,
      tpu.vector_store_idx %arg5[%get3A_295], %broadcast_in_dim3A_110 {add = true} : memref<10000xi32, #tpu.memory_space<vmem>>[vector<16xi32>], vector<16xi32>,
      tpu.vector_store_idx %arg5[%get3A_303], %broadcast_in_dim3A_110 {add = true} : memref<10000xi32, #tpu.memory_space<vmem>>[vector<16xi32>], vector<16xi32>,
      tpu.vector_store_idx %arg6[%get3A_311], %broadcast_in_dim3A_110 {add = true} : memref<10000xi32, #tpu.memory_space<vmem>>[vector<16xi32>], vector<16xi32>,
      tpu.vector_store_idx %arg6[%get3A_319], %broadcast_in_dim3A_110 {add = true} : memref<10000xi32, #tpu.memory_space<vmem>>[vector<16xi32>], vector<16xi32>,
      tpu.vector_store_idx %arg6[%get3A_327], %broadcast_in_dim3A_110 {add = true} : memref<10000xi32, #tpu.memory_space<vmem>>[vector<16xi32>], vector<16xi32>,
      tpu.vector_store_idx %arg6[%get3A_335], %broadcast_in_dim3A_110 {add = true} : memref<10000xi32, #tpu.memory_space<vmem>>[vector<16xi32>], vector<16xi32>,
      %scan3A_336 = arith.constant 3 : i32
      %scan3A_337 = arith.addi %scan3A_134, %scan3A_336 : i32
      %mul3A_338 = arith.constant 64 : i32
      %mul3A_339 = arith.muli %scan3A_337, %mul3A_338 : i32
      %add3A_340 = arith.constant 0 : i32
      %add3A_341 = arith.addi %mul3A_339, %add3A_340 : i32
      %get3A_342 = arith.constant 1 : i32
      %get3A_343 = arith.constant 0 : i32
      %get3A_344 = arith.index_cast %get3A_342 : i32 to index
      %get3A_345 = arith.index_cast %get3A_343 : i32 to index
      %get3A_346 = arith.index_cast %add3A_341 : i32 to index
      %get3A_347 = tpu.vector_load %arg4[%get3A_344, %get3A_345, %get3A_346] {strides = array<i32>} : memref<4x2x2560xi32, #tpu.memory_space<vmem>>, vector<16xi32>,
      %add3A_348 = arith.constant 16 : i32
      %add3A_349 = arith.addi %mul3A_339, %add3A_348 : i32
      %get3A_350 = arith.constant 1 : i32
      %get3A_351 = arith.constant 0 : i32
      %get3A_352 = arith.index_cast %get3A_350 : i32 to index
      %get3A_353 = arith.index_cast %get3A_351 : i32 to index
      %get3A_354 = arith.index_cast %add3A_349 : i32 to index
      %get3A_355 = tpu.vector_load %arg4[%get3A_352, %get3A_353, %get3A_354] {strides = array<i32>} : memref<4x2x2560xi32, #tpu.memory_space<vmem>>, vector<16xi32>,
      %add3A_356 = arith.constant 32 : i32
      %add3A_357 = arith.addi %mul3A_339, %add3A_356 : i32
      %get3A_358 = arith.constant 1 : i32
      %get3A_359 = arith.constant 0 : i32
      %get3A_360 = arith.index_cast %get3A_358 : i32 to index
      %get3A_361 = arith.index_cast %get3A_359 : i32 to index
      %get3A_362 = arith.index_cast %add3A_357 : i32 to index
      %get3A_363 = tpu.vector_load %arg4[%get3A_360, %get3A_361, %get3A_362] {strides = array<i32>} : memref<4x2x2560xi32, #tpu.memory_space<vmem>>, vector<16xi32>,
      %add3A_364 = arith.constant 48 : i32
      %add3A_365 = arith.addi %mul3A_339, %add3A_364 : i32
      %get3A_366 = arith.constant 1 : i32
      %get3A_367 = arith.constant 0 : i32
      %get3A_368 = arith.index_cast %get3A_366 : i32 to index
      %get3A_369 = arith.index_cast %get3A_367 : i32 to index
      %get3A_370 = arith.index_cast %add3A_365 : i32 to index
      %get3A_371 = tpu.vector_load %arg4[%get3A_368, %get3A_369, %get3A_370] {strides = array<i32>} : memref<4x2x2560xi32, #tpu.memory_space<vmem>>, vector<16xi32>,
      %add3A_372 = arith.constant 0 : i32
      %add3A_373 = arith.addi %mul3A_339, %add3A_372 : i32
      %get3A_374 = arith.constant 1 : i32
      %get3A_375 = arith.constant 1 : i32
      %get3A_376 = arith.index_cast %get3A_374 : i32 to index
      %get3A_377 = arith.index_cast %get3A_375 : i32 to index
      %get3A_378 = arith.index_cast %add3A_373 : i32 to index
      %get3A_379 = tpu.vector_load %arg4[%get3A_376, %get3A_377, %get3A_378] {strides = array<i32>} : memref<4x2x2560xi32, #tpu.memory_space<vmem>>, vector<16xi32>,
      %add3A_380 = arith.constant 16 : i32
      %add3A_381 = arith.addi %mul3A_339, %add3A_380 : i32
      %get3A_382 = arith.constant 1 : i32
      %get3A_383 = arith.constant 1 : i32
      %get3A_384 = arith.index_cast %get3A_382 : i32 to index
      %get3A_385 = arith.index_cast %get3A_383 : i32 to index
      %get3A_386 = arith.index_cast %add3A_381 : i32 to index
      %get3A_387 = tpu.vector_load %arg4[%get3A_384, %get3A_385, %get3A_386] {strides = array<i32>} : memref<4x2x2560xi32, #tpu.memory_space<vmem>>, vector<16xi32>,
      %add3A_388 = arith.constant 32 : i32
      %add3A_389 = arith.addi %mul3A_339, %add3A_388 : i32
      %get3A_390 = arith.constant 1 : i32
      %get3A_391 = arith.constant 1 : i32
      %get3A_392 = arith.index_cast %get3A_390 : i32 to index
      %get3A_393 = arith.index_cast %get3A_391 : i32 to index
      %get3A_394 = arith.index_cast %add3A_389 : i32 to index
      %get3A_395 = tpu.vector_load %arg4[%get3A_392, %get3A_393, %get3A_394] {strides = array<i32>} : memref<4x2x2560xi32, #tpu.memory_space<vmem>>, vector<16xi32>,
      %add3A_396 = arith.constant 48 : i32
      %add3A_397 = arith.addi %mul3A_339, %add3A_396 : i32
      %get3A_398 = arith.constant 1 : i32
      %get3A_399 = arith.constant 1 : i32
      %get3A_400 = arith.index_cast %get3A_398 : i32 to index
      %get3A_401 = arith.index_cast %get3A_399 : i32 to index
      %get3A_402 = arith.index_cast %add3A_397 : i32 to index
      %get3A_403 = tpu.vector_load %arg4[%get3A_400, %get3A_401, %get3A_402] {strides = array<i32>} : memref<4x2x2560xi32, #tpu.memory_space<vmem>>, vector<16xi32>,
      tpu.vector_store_idx %arg5[%get3A_347], %broadcast_in_dim3A_110 {add = true} : memref<10000xi32, #tpu.memory_space<vmem>>[vector<16xi32>], vector<16xi32>,
      tpu.vector_store_idx %arg5[%get3A_355], %broadcast_in_dim3A_110 {add = true} : memref<10000xi32, #tpu.memory_space<vmem>>[vector<16xi32>], vector<16xi32>,
      tpu.vector_store_idx %arg5[%get3A_363], %broadcast_in_dim3A_110 {add = true} : memref<10000xi32, #tpu.memory_space<vmem>>[vector<16xi32>], vector<16xi32>,
      tpu.vector_store_idx %arg5[%get3A_371], %broadcast_in_dim3A_110 {add = true} : memref<10000xi32, #tpu.memory_space<vmem>>[vector<16xi32>], vector<16xi32>,
      tpu.vector_store_idx %arg6[%get3A_379], %broadcast_in_dim3A_110 {add = true} : memref<10000xi32, #tpu.memory_space<vmem>>[vector<16xi32>], vector<16xi32>,
      tpu.vector_store_idx %arg6[%get3A_387], %broadcast_in_dim3A_110 {add = true} : memref<10000xi32, #tpu.memory_space<vmem>>[vector<16xi32>], vector<16xi32>,
      tpu.vector_store_idx %arg6[%get3A_395], %broadcast_in_dim3A_110 {add = true} : memref<10000xi32, #tpu.memory_space<vmem>>[vector<16xi32>], vector<16xi32>,
      tpu.vector_store_idx %arg6[%get3A_403], %broadcast_in_dim3A_110 {add = true} : memref<10000xi32, #tpu.memory_space<vmem>>[vector<16xi32>], vector<16xi32>,
    }
    %scan3A_122 = arith.constant 40 : i32
    %scan3A_123 = arith.constant 0 : i32
    %scan3A_124 = arith.constant 0 : i32
    %scan3A_125 = arith.constant 40 : i32
    %scan3A_126 = arith.addi %scan3A_124, %scan3A_125 : i32
    %scan3A_127 = arith.constant 4 : i32
    scf.for %scan3A_134 = %scan3A_124 to %scan3A_126 step %scan3A_127  : i32 {
      %mul3A_135 = arith.constant 64 : i32
      %mul3A_136 = arith.muli %scan3A_134, %mul3A_135 : i32
      %add3A_137 = arith.constant 0 : i32
      %add3A_138 = arith.addi %mul3A_136, %add3A_137 : i32
      %get3A = arith.constant 2 : i32
      %get3A_139 = arith.constant 0 : i32
      %get3A_140 = arith.index_cast %get3A : i32 to index
      %get3A_141 = arith.index_cast %get3A_139 : i32 to index
      %get3A_142 = arith.index_cast %add3A_138 : i32 to index
      %get3A_143 = tpu.vector_load %arg4[%get3A_140, %get3A_141, %get3A_142] {strides = array<i32>} : memref<4x2x2560xi32, #tpu.memory_space<vmem>>, vector<16xi32>,
      %add3A_144 = arith.constant 16 : i32
      %add3A_145 = arith.addi %mul3A_136, %add3A_144 : i32
      %get3A_146 = arith.constant 2 : i32
      %get3A_147 = arith.constant 0 : i32
      %get3A_148 = arith.index_cast %get3A_146 : i32 to index
      %get3A_149 = arith.index_cast %get3A_147 : i32 to index
      %get3A_150 = arith.index_cast %add3A_145 : i32 to index
      %get3A_151 = tpu.vector_load %arg4[%get3A_148, %get3A_149, %get3A_150] {strides = array<i32>} : memref<4x2x2560xi32, #tpu.memory_space<vmem>>, vector<16xi32>,
      %add3A_152 = arith.constant 32 : i32
      %add3A_153 = arith.addi %mul3A_136, %add3A_152 : i32
      %get3A_154 = arith.constant 2 : i32
      %get3A_155 = arith.constant 0 : i32
      %get3A_156 = arith.index_cast %get3A_154 : i32 to index
      %get3A_157 = arith.index_cast %get3A_155 : i32 to index
      %get3A_158 = arith.index_cast %add3A_153 : i32 to index
      %get3A_159 = tpu.vector_load %arg4[%get3A_156, %get3A_157, %get3A_158] {strides = array<i32>} : memref<4x2x2560xi32, #tpu.memory_space<vmem>>, vector<16xi32>,
      %add3A_160 = arith.constant 48 : i32
      %add3A_161 = arith.addi %mul3A_136, %add3A_160 : i32
      %get3A_162 = arith.constant 2 : i32
      %get3A_163 = arith.constant 0 : i32
      %get3A_164 = arith.index_cast %get3A_162 : i32 to index
      %get3A_165 = arith.index_cast %get3A_163 : i32 to index
      %get3A_166 = arith.index_cast %add3A_161 : i32 to index
      %get3A_167 = tpu.vector_load %arg4[%get3A_164, %get3A_165, %get3A_166] {strides = array<i32>} : memref<4x2x2560xi32, #tpu.memory_space<vmem>>, vector<16xi32>,
      %add3A_168 = arith.constant 0 : i32
      %add3A_169 = arith.addi %mul3A_136, %add3A_168 : i32
      %get3A_170 = arith.constant 2 : i32
      %get3A_171 = arith.constant 1 : i32
      %get3A_172 = arith.index_cast %get3A_170 : i32 to index
      %get3A_173 = arith.index_cast %get3A_171 : i32 to index
      %get3A_174 = arith.index_cast %add3A_169 : i32 to index
      %get3A_175 = tpu.vector_load %arg4[%get3A_172, %get3A_173, %get3A_174] {strides = array<i32>} : memref<4x2x2560xi32, #tpu.memory_space<vmem>>, vector<16xi32>,
      %add3A_176 = arith.constant 16 : i32
      %add3A_177 = arith.addi %mul3A_136, %add3A_176 : i32
      %get3A_178 = arith.constant 2 : i32
      %get3A_179 = arith.constant 1 : i32
      %get3A_180 = arith.index_cast %get3A_178 : i32 to index
      %get3A_181 = arith.index_cast %get3A_179 : i32 to index
      %get3A_182 = arith.index_cast %add3A_177 : i32 to index
      %get3A_183 = tpu.vector_load %arg4[%get3A_180, %get3A_181, %get3A_182] {strides = array<i32>} : memref<4x2x2560xi32, #tpu.memory_space<vmem>>, vector<16xi32>,
      %add3A_184 = arith.constant 32 : i32
      %add3A_185 = arith.addi %mul3A_136, %add3A_184 : i32
      %get3A_186 = arith.constant 2 : i32
      %get3A_187 = arith.constant 1 : i32
      %get3A_188 = arith.index_cast %get3A_186 : i32 to index
      %get3A_189 = arith.index_cast %get3A_187 : i32 to index
      %get3A_190 = arith.index_cast %add3A_185 : i32 to index
      %get3A_191 = tpu.vector_load %arg4[%get3A_188, %get3A_189, %get3A_190] {strides = array<i32>} : memref<4x2x2560xi32, #tpu.memory_space<vmem>>, vector<16xi32>,
      %add3A_192 = arith.constant 48 : i32
      %add3A_193 = arith.addi %mul3A_136, %add3A_192 : i32
      %get3A_194 = arith.constant 2 : i32
      %get3A_195 = arith.constant 1 : i32
      %get3A_196 = arith.index_cast %get3A_194 : i32 to index
      %get3A_197 = arith.index_cast %get3A_195 : i32 to index
      %get3A_198 = arith.index_cast %add3A_193 : i32 to index
      %get3A_199 = tpu.vector_load %arg4[%get3A_196, %get3A_197, %get3A_198] {strides = array<i32>} : memref<4x2x2560xi32, #tpu.memory_space<vmem>>, vector<16xi32>,
      tpu.vector_store_idx %arg5[%get3A_143], %broadcast_in_dim3A_110 {add = true} : memref<10000xi32, #tpu.memory_space<vmem>>[vector<16xi32>], vector<16xi32>,
      tpu.vector_store_idx %arg5[%get3A_151], %broadcast_in_dim3A_110 {add = true} : memref<10000xi32, #tpu.memory_space<vmem>>[vector<16xi32>], vector<16xi32>,
      tpu.vector_store_idx %arg5[%get3A_159], %broadcast_in_dim3A_110 {add = true} : memref<10000xi32, #tpu.memory_space<vmem>>[vector<16xi32>], vector<16xi32>,
      tpu.vector_store_idx %arg5[%get3A_167], %broadcast_in_dim3A_110 {add = true} : memref<10000xi32, #tpu.memory_space<vmem>>[vector<16xi32>], vector<16xi32>,
      tpu.vector_store_idx %arg6[%get3A_175], %broadcast_in_dim3A_110 {add = true} : memref<10000xi32, #tpu.memory_space<vmem>>[vector<16xi32>], vector<16xi32>,
      tpu.vector_store_idx %arg6[%get3A_183], %broadcast_in_dim3A_110 {add = true} : memref<10000xi32, #tpu.memory_space<vmem>>[vector<16xi32>], vector<16xi32>,
      tpu.vector_store_idx %arg6[%get3A_191], %broadcast_in_dim3A_110 {add = true} : memref<10000xi32, #tpu.memory_space<vmem>>[vector<16xi32>], vector<16xi32>,
      tpu.vector_store_idx %arg6[%get3A_199], %broadcast_in_dim3A_110 {add = true} : memref<10000xi32, #tpu.memory_space<vmem>>[vector<16xi32>], vector<16xi32>,
      %scan3A_200 = arith.constant 1 : i32
      %scan3A_201 = arith.addi %scan3A_134, %scan3A_200 : i32
      %mul3A_202 = arith.constant 64 : i32
      %mul3A_203 = arith.muli %scan3A_201, %mul3A_202 : i32
      %add3A_204 = arith.constant 0 : i32
      %add3A_205 = arith.addi %mul3A_203, %add3A_204 : i32
      %get3A_206 = arith.constant 2 : i32
      %get3A_207 = arith.constant 0 : i32
      %get3A_208 = arith.index_cast %get3A_206 : i32 to index
      %get3A_209 = arith.index_cast %get3A_207 : i32 to index
      %get3A_210 = arith.index_cast %add3A_205 : i32 to index
      %get3A_211 = tpu.vector_load %arg4[%get3A_208, %get3A_209, %get3A_210] {strides = array<i32>} : memref<4x2x2560xi32, #tpu.memory_space<vmem>>, vector<16xi32>,
      %add3A_212 = arith.constant 16 : i32
      %add3A_213 = arith.addi %mul3A_203, %add3A_212 : i32
      %get3A_214 = arith.constant 2 : i32
      %get3A_215 = arith.constant 0 : i32
      %get3A_216 = arith.index_cast %get3A_214 : i32 to index
      %get3A_217 = arith.index_cast %get3A_215 : i32 to index
      %get3A_218 = arith.index_cast %add3A_213 : i32 to index
      %get3A_219 = tpu.vector_load %arg4[%get3A_216, %get3A_217, %get3A_218] {strides = array<i32>} : memref<4x2x2560xi32, #tpu.memory_space<vmem>>, vector<16xi32>,
      %add3A_220 = arith.constant 32 : i32
      %add3A_221 = arith.addi %mul3A_203, %add3A_220 : i32
      %get3A_222 = arith.constant 2 : i32
      %get3A_223 = arith.constant 0 : i32
      %get3A_224 = arith.index_cast %get3A_222 : i32 to index
      %get3A_225 = arith.index_cast %get3A_223 : i32 to index
      %get3A_226 = arith.index_cast %add3A_221 : i32 to index
      %get3A_227 = tpu.vector_load %arg4[%get3A_224, %get3A_225, %get3A_226] {strides = array<i32>} : memref<4x2x2560xi32, #tpu.memory_space<vmem>>, vector<16xi32>,
      %add3A_228 = arith.constant 48 : i32
      %add3A_229 = arith.addi %mul3A_203, %add3A_228 : i32
      %get3A_230 = arith.constant 2 : i32
      %get3A_231 = arith.constant 0 : i32
      %get3A_232 = arith.index_cast %get3A_230 : i32 to index
      %get3A_233 = arith.index_cast %get3A_231 : i32 to index
      %get3A_234 = arith.index_cast %add3A_229 : i32 to index
      %get3A_235 = tpu.vector_load %arg4[%get3A_232, %get3A_233, %get3A_234] {strides = array<i32>} : memref<4x2x2560xi32, #tpu.memory_space<vmem>>, vector<16xi32>,
      %add3A_236 = arith.constant 0 : i32
      %add3A_237 = arith.addi %mul3A_203, %add3A_236 : i32
      %get3A_238 = arith.constant 2 : i32
      %get3A_239 = arith.constant 1 : i32
      %get3A_240 = arith.index_cast %get3A_238 : i32 to index
      %get3A_241 = arith.index_cast %get3A_239 : i32 to index
      %get3A_242 = arith.index_cast %add3A_237 : i32 to index
      %get3A_243 = tpu.vector_load %arg4[%get3A_240, %get3A_241, %get3A_242] {strides = array<i32>} : memref<4x2x2560xi32, #tpu.memory_space<vmem>>, vector<16xi32>,
      %add3A_244 = arith.constant 16 : i32
      %add3A_245 = arith.addi %mul3A_203, %add3A_244 : i32
      %get3A_246 = arith.constant 2 : i32
      %get3A_247 = arith.constant 1 : i32
      %get3A_248 = arith.index_cast %get3A_246 : i32 to index
      %get3A_249 = arith.index_cast %get3A_247 : i32 to index
      %get3A_250 = arith.index_cast %add3A_245 : i32 to index
      %get3A_251 = tpu.vector_load %arg4[%get3A_248, %get3A_249, %get3A_250] {strides = array<i32>} : memref<4x2x2560xi32, #tpu.memory_space<vmem>>, vector<16xi32>,
      %add3A_252 = arith.constant 32 : i32
      %add3A_253 = arith.addi %mul3A_203, %add3A_252 : i32
      %get3A_254 = arith.constant 2 : i32
      %get3A_255 = arith.constant 1 : i32
      %get3A_256 = arith.index_cast %get3A_254 : i32 to index
      %get3A_257 = arith.index_cast %get3A_255 : i32 to index
      %get3A_258 = arith.index_cast %add3A_253 : i32 to index
      %get3A_259 = tpu.vector_load %arg4[%get3A_256, %get3A_257, %get3A_258] {strides = array<i32>} : memref<4x2x2560xi32, #tpu.memory_space<vmem>>, vector<16xi32>,
      %add3A_260 = arith.constant 48 : i32
      %add3A_261 = arith.addi %mul3A_203, %add3A_260 : i32
      %get3A_262 = arith.constant 2 : i32
      %get3A_263 = arith.constant 1 : i32
      %get3A_264 = arith.index_cast %get3A_262 : i32 to index
      %get3A_265 = arith.index_cast %get3A_263 : i32 to index
      %get3A_266 = arith.index_cast %add3A_261 : i32 to index
      %get3A_267 = tpu.vector_load %arg4[%get3A_264, %get3A_265, %get3A_266] {strides = array<i32>} : memref<4x2x2560xi32, #tpu.memory_space<vmem>>, vector<16xi32>,
      tpu.vector_store_idx %arg5[%get3A_211], %broadcast_in_dim3A_110 {add = true} : memref<10000xi32, #tpu.memory_space<vmem>>[vector<16xi32>], vector<16xi32>,
      tpu.vector_store_idx %arg5[%get3A_219], %broadcast_in_dim3A_110 {add = true} : memref<10000xi32, #tpu.memory_space<vmem>>[vector<16xi32>], vector<16xi32>,
      tpu.vector_store_idx %arg5[%get3A_227], %broadcast_in_dim3A_110 {add = true} : memref<10000xi32, #tpu.memory_space<vmem>>[vector<16xi32>], vector<16xi32>,
      tpu.vector_store_idx %arg5[%get3A_235], %broadcast_in_dim3A_110 {add = true} : memref<10000xi32, #tpu.memory_space<vmem>>[vector<16xi32>], vector<16xi32>,
      tpu.vector_store_idx %arg6[%get3A_243], %broadcast_in_dim3A_110 {add = true} : memref<10000xi32, #tpu.memory_space<vmem>>[vector<16xi32>], vector<16xi32>,
      tpu.vector_store_idx %arg6[%get3A_251], %broadcast_in_dim3A_110 {add = true} : memref<10000xi32, #tpu.memory_space<vmem>>[vector<16xi32>], vector<16xi32>,
      tpu.vector_store_idx %arg6[%get3A_259], %broadcast_in_dim3A_110 {add = true} : memref<10000xi32, #tpu.memory_space<vmem>>[vector<16xi32>], vector<16xi32>,
      tpu.vector_store_idx %arg6[%get3A_267], %broadcast_in_dim3A_110 {add = true} : memref<10000xi32, #tpu.memory_space<vmem>>[vector<16xi32>], vector<16xi32>,
      %scan3A_268 = arith.constant 2 : i32
      %scan3A_269 = arith.addi %scan3A_134, %scan3A_268 : i32
      %mul3A_270 = arith.constant 64 : i32
      %mul3A_271 = arith.muli %scan3A_269, %mul3A_270 : i32
      %add3A_272 = arith.constant 0 : i32
      %add3A_273 = arith.addi %mul3A_271, %add3A_272 : i32
      %get3A_274 = arith.constant 2 : i32
      %get3A_275 = arith.constant 0 : i32
      %get3A_276 = arith.index_cast %get3A_274 : i32 to index
      %get3A_277 = arith.index_cast %get3A_275 : i32 to index
      %get3A_278 = arith.index_cast %add3A_273 : i32 to index
      %get3A_279 = tpu.vector_load %arg4[%get3A_276, %get3A_277, %get3A_278] {strides = array<i32>} : memref<4x2x2560xi32, #tpu.memory_space<vmem>>, vector<16xi32>,
      %add3A_280 = arith.constant 16 : i32
      %add3A_281 = arith.addi %mul3A_271, %add3A_280 : i32
      %get3A_282 = arith.constant 2 : i32
      %get3A_283 = arith.constant 0 : i32
      %get3A_284 = arith.index_cast %get3A_282 : i32 to index
      %get3A_285 = arith.index_cast %get3A_283 : i32 to index
      %get3A_286 = arith.index_cast %add3A_281 : i32 to index
      %get3A_287 = tpu.vector_load %arg4[%get3A_284, %get3A_285, %get3A_286] {strides = array<i32>} : memref<4x2x2560xi32, #tpu.memory_space<vmem>>, vector<16xi32>,
      %add3A_288 = arith.constant 32 : i32
      %add3A_289 = arith.addi %mul3A_271, %add3A_288 : i32
      %get3A_290 = arith.constant 2 : i32
      %get3A_291 = arith.constant 0 : i32
      %get3A_292 = arith.index_cast %get3A_290 : i32 to index
      %get3A_293 = arith.index_cast %get3A_291 : i32 to index
      %get3A_294 = arith.index_cast %add3A_289 : i32 to index
      %get3A_295 = tpu.vector_load %arg4[%get3A_292, %get3A_293, %get3A_294] {strides = array<i32>} : memref<4x2x2560xi32, #tpu.memory_space<vmem>>, vector<16xi32>,
      %add3A_296 = arith.constant 48 : i32
      %add3A_297 = arith.addi %mul3A_271, %add3A_296 : i32
      %get3A_298 = arith.constant 2 : i32
      %get3A_299 = arith.constant 0 : i32
      %get3A_300 = arith.index_cast %get3A_298 : i32 to index
      %get3A_301 = arith.index_cast %get3A_299 : i32 to index
      %get3A_302 = arith.index_cast %add3A_297 : i32 to index
      %get3A_303 = tpu.vector_load %arg4[%get3A_300, %get3A_301, %get3A_302] {strides = array<i32>} : memref<4x2x2560xi32, #tpu.memory_space<vmem>>, vector<16xi32>,
      %add3A_304 = arith.constant 0 : i32
      %add3A_305 = arith.addi %mul3A_271, %add3A_304 : i32
      %get3A_306 = arith.constant 2 : i32
      %get3A_307 = arith.constant 1 : i32
      %get3A_308 = arith.index_cast %get3A_306 : i32 to index
      %get3A_309 = arith.index_cast %get3A_307 : i32 to index
      %get3A_310 = arith.index_cast %add3A_305 : i32 to index
      %get3A_311 = tpu.vector_load %arg4[%get3A_308, %get3A_309, %get3A_310] {strides = array<i32>} : memref<4x2x2560xi32, #tpu.memory_space<vmem>>, vector<16xi32>,
      %add3A_312 = arith.constant 16 : i32
      %add3A_313 = arith.addi %mul3A_271, %add3A_312 : i32
      %get3A_314 = arith.constant 2 : i32
      %get3A_315 = arith.constant 1 : i32
      %get3A_316 = arith.index_cast %get3A_314 : i32 to index
      %get3A_317 = arith.index_cast %get3A_315 : i32 to index
      %get3A_318 = arith.index_cast %add3A_313 : i32 to index
      %get3A_319 = tpu.vector_load %arg4[%get3A_316, %get3A_317, %get3A_318] {strides = array<i32>} : memref<4x2x2560xi32, #tpu.memory_space<vmem>>, vector<16xi32>,
      %add3A_320 = arith.constant 32 : i32
      %add3A_321 = arith.addi %mul3A_271, %add3A_320 : i32
      %get3A_322 = arith.constant 2 : i32
      %get3A_323 = arith.constant 1 : i32
      %get3A_324 = arith.index_cast %get3A_322 : i32 to index
      %get3A_325 = arith.index_cast %get3A_323 : i32 to index
      %get3A_326 = arith.index_cast %add3A_321 : i32 to index
      %get3A_327 = tpu.vector_load %arg4[%get3A_324, %get3A_325, %get3A_326] {strides = array<i32>} : memref<4x2x2560xi32, #tpu.memory_space<vmem>>, vector<16xi32>,
      %add3A_328 = arith.constant 48 : i32
      %add3A_329 = arith.addi %mul3A_271, %add3A_328 : i32
      %get3A_330 = arith.constant 2 : i32
      %get3A_331 = arith.constant 1 : i32
      %get3A_332 = arith.index_cast %get3A_330 : i32 to index
      %get3A_333 = arith.index_cast %get3A_331 : i32 to index
      %get3A_334 = arith.index_cast %add3A_329 : i32 to index
      %get3A_335 = tpu.vector_load %arg4[%get3A_332, %get3A_333, %get3A_334] {strides = array<i32>} : memref<4x2x2560xi32, #tpu.memory_space<vmem>>, vector<16xi32>,
      tpu.vector_store_idx %arg5[%get3A_279], %broadcast_in_dim3A_110 {add = true} : memref<10000xi32, #tpu.memory_space<vmem>>[vector<16xi32>], vector<16xi32>,
      tpu.vector_store_idx %arg5[%get3A_287], %broadcast_in_dim3A_110 {add = true} : memref<10000xi32, #tpu.memory_space<vmem>>[vector<16xi32>], vector<16xi32>,
      tpu.vector_store_idx %arg5[%get3A_295], %broadcast_in_dim3A_110 {add = true} : memref<10000xi32, #tpu.memory_space<vmem>>[vector<16xi32>], vector<16xi32>,
      tpu.vector_store_idx %arg5[%get3A_303], %broadcast_in_dim3A_110 {add = true} : memref<10000xi32, #tpu.memory_space<vmem>>[vector<16xi32>], vector<16xi32>,
      tpu.vector_store_idx %arg6[%get3A_311], %broadcast_in_dim3A_110 {add = true} : memref<10000xi32, #tpu.memory_space<vmem>>[vector<16xi32>], vector<16xi32>,
      tpu.vector_store_idx %arg6[%get3A_319], %broadcast_in_dim3A_110 {add = true} : memref<10000xi32, #tpu.memory_space<vmem>>[vector<16xi32>], vector<16xi32>,
      tpu.vector_store_idx %arg6[%get3A_327], %broadcast_in_dim3A_110 {add = true} : memref<10000xi32, #tpu.memory_space<vmem>>[vector<16xi32>], vector<16xi32>,
      tpu.vector_store_idx %arg6[%get3A_335], %broadcast_in_dim3A_110 {add = true} : memref<10000xi32, #tpu.memory_space<vmem>>[vector<16xi32>], vector<16xi32>,
      %scan3A_336 = arith.constant 3 : i32
      %scan3A_337 = arith.addi %scan3A_134, %scan3A_336 : i32
      %mul3A_338 = arith.constant 64 : i32
      %mul3A_339 = arith.muli %scan3A_337, %mul3A_338 : i32
      %add3A_340 = arith.constant 0 : i32
      %add3A_341 = arith.addi %mul3A_339, %add3A_340 : i32
      %get3A_342 = arith.constant 2 : i32
      %get3A_343 = arith.constant 0 : i32
      %get3A_344 = arith.index_cast %get3A_342 : i32 to index
      %get3A_345 = arith.index_cast %get3A_343 : i32 to index
      %get3A_346 = arith.index_cast %add3A_341 : i32 to index
      %get3A_347 = tpu.vector_load %arg4[%get3A_344, %get3A_345, %get3A_346] {strides = array<i32>} : memref<4x2x2560xi32, #tpu.memory_space<vmem>>, vector<16xi32>,
      %add3A_348 = arith.constant 16 : i32
      %add3A_349 = arith.addi %mul3A_339, %add3A_348 : i32
      %get3A_350 = arith.constant 2 : i32
      %get3A_351 = arith.constant 0 : i32
      %get3A_352 = arith.index_cast %get3A_350 : i32 to index
      %get3A_353 = arith.index_cast %get3A_351 : i32 to index
      %get3A_354 = arith.index_cast %add3A_349 : i32 to index
      %get3A_355 = tpu.vector_load %arg4[%get3A_352, %get3A_353, %get3A_354] {strides = array<i32>} : memref<4x2x2560xi32, #tpu.memory_space<vmem>>, vector<16xi32>,
      %add3A_356 = arith.constant 32 : i32
      %add3A_357 = arith.addi %mul3A_339, %add3A_356 : i32
      %get3A_358 = arith.constant 2 : i32
      %get3A_359 = arith.constant 0 : i32
      %get3A_360 = arith.index_cast %get3A_358 : i32 to index
      %get3A_361 = arith.index_cast %get3A_359 : i32 to index
      %get3A_362 = arith.index_cast %add3A_357 : i32 to index
      %get3A_363 = tpu.vector_load %arg4[%get3A_360, %get3A_361, %get3A_362] {strides = array<i32>} : memref<4x2x2560xi32, #tpu.memory_space<vmem>>, vector<16xi32>,
      %add3A_364 = arith.constant 48 : i32
      %add3A_365 = arith.addi %mul3A_339, %add3A_364 : i32
      %get3A_366 = arith.constant 2 : i32
      %get3A_367 = arith.constant 0 : i32
      %get3A_368 = arith.index_cast %get3A_366 : i32 to index
      %get3A_369 = arith.index_cast %get3A_367 : i32 to index
      %get3A_370 = arith.index_cast %add3A_365 : i32 to index
      %get3A_371 = tpu.vector_load %arg4[%get3A_368, %get3A_369, %get3A_370] {strides = array<i32>} : memref<4x2x2560xi32, #tpu.memory_space<vmem>>, vector<16xi32>,
      %add3A_372 = arith.constant 0 : i32
      %add3A_373 = arith.addi %mul3A_339, %add3A_372 : i32
      %get3A_374 = arith.constant 2 : i32
      %get3A_375 = arith.constant 1 : i32
      %get3A_376 = arith.index_cast %get3A_374 : i32 to index
      %get3A_377 = arith.index_cast %get3A_375 : i32 to index
      %get3A_378 = arith.index_cast %add3A_373 : i32 to index
      %get3A_379 = tpu.vector_load %arg4[%get3A_376, %get3A_377, %get3A_378] {strides = array<i32>} : memref<4x2x2560xi32, #tpu.memory_space<vmem>>, vector<16xi32>,
      %add3A_380 = arith.constant 16 : i32
      %add3A_381 = arith.addi %mul3A_339, %add3A_380 : i32
      %get3A_382 = arith.constant 2 : i32
      %get3A_383 = arith.constant 1 : i32
      %get3A_384 = arith.index_cast %get3A_382 : i32 to index
      %get3A_385 = arith.index_cast %get3A_383 : i32 to index
      %get3A_386 = arith.index_cast %add3A_381 : i32 to index
      %get3A_387 = tpu.vector_load %arg4[%get3A_384, %get3A_385, %get3A_386] {strides = array<i32>} : memref<4x2x2560xi32, #tpu.memory_space<vmem>>, vector<16xi32>,
      %add3A_388 = arith.constant 32 : i32
      %add3A_389 = arith.addi %mul3A_339, %add3A_388 : i32
      %get3A_390 = arith.constant 2 : i32
      %get3A_391 = arith.constant 1 : i32
      %get3A_392 = arith.index_cast %get3A_390 : i32 to index
      %get3A_393 = arith.index_cast %get3A_391 : i32 to index
      %get3A_394 = arith.index_cast %add3A_389 : i32 to index
      %get3A_395 = tpu.vector_load %arg4[%get3A_392, %get3A_393, %get3A_394] {strides = array<i32>} : memref<4x2x2560xi32, #tpu.memory_space<vmem>>, vector<16xi32>,
      %add3A_396 = arith.constant 48 : i32
      %add3A_397 = arith.addi %mul3A_339, %add3A_396 : i32
      %get3A_398 = arith.constant 2 : i32
      %get3A_399 = arith.constant 1 : i32
      %get3A_400 = arith.index_cast %get3A_398 : i32 to index
      %get3A_401 = arith.index_cast %get3A_399 : i32 to index
      %get3A_402 = arith.index_cast %add3A_397 : i32 to index
      %get3A_403 = tpu.vector_load %arg4[%get3A_400, %get3A_401, %get3A_402] {strides = array<i32>} : memref<4x2x2560xi32, #tpu.memory_space<vmem>>, vector<16xi32>,
      tpu.vector_store_idx %arg5[%get3A_347], %broadcast_in_dim3A_110 {add = true} : memref<10000xi32, #tpu.memory_space<vmem>>[vector<16xi32>], vector<16xi32>,
      tpu.vector_store_idx %arg5[%get3A_355], %broadcast_in_dim3A_110 {add = true} : memref<10000xi32, #tpu.memory_space<vmem>>[vector<16xi32>], vector<16xi32>,
      tpu.vector_store_idx %arg5[%get3A_363], %broadcast_in_dim3A_110 {add = true} : memref<10000xi32, #tpu.memory_space<vmem>>[vector<16xi32>], vector<16xi32>,
      tpu.vector_store_idx %arg5[%get3A_371], %broadcast_in_dim3A_110 {add = true} : memref<10000xi32, #tpu.memory_space<vmem>>[vector<16xi32>], vector<16xi32>,
      tpu.vector_store_idx %arg6[%get3A_379], %broadcast_in_dim3A_110 {add = true} : memref<10000xi32, #tpu.memory_space<vmem>>[vector<16xi32>], vector<16xi32>,
      tpu.vector_store_idx %arg6[%get3A_387], %broadcast_in_dim3A_110 {add = true} : memref<10000xi32, #tpu.memory_space<vmem>>[vector<16xi32>], vector<16xi32>,
      tpu.vector_store_idx %arg6[%get3A_395], %broadcast_in_dim3A_110 {add = true} : memref<10000xi32, #tpu.memory_space<vmem>>[vector<16xi32>], vector<16xi32>,
      tpu.vector_store_idx %arg6[%get3A_403], %broadcast_in_dim3A_110 {add = true} : memref<10000xi32, #tpu.memory_space<vmem>>[vector<16xi32>], vector<16xi32>,
    }
    %scan3A_128 = arith.constant 40 : i32
    %convert_element_type3A_129 = arith.extui %lt3A_51 : i1 to i32
    %cond3A_130 = arith.constant 0 : i32
    %cond3A_131 = arith.cmpi ne, %convert_element_type3A_129, %cond3A_130 : i32
    scf.if %cond3A_131 {
      %scan3A_134 = arith.constant 0 : i32
      %scan3A_135 = arith.constant 0 : i32
      %scan3A_136 = arith.constant 40 : i32
      %scan3A_137 = arith.addi %scan3A_135, %scan3A_136 : i32
      %scan3A_138 = arith.constant 4 : i32
      scf.for %scan3A_140 = %scan3A_135 to %scan3A_137 step %scan3A_138  : i32 {
        %mul3A_141 = arith.constant 64 : i32
        %mul3A_142 = arith.muli %scan3A_140, %mul3A_141 : i32
        %add3A_143 = arith.constant 0 : i32
        %add3A_144 = arith.addi %mul3A_142, %add3A_143 : i32
        %get3A = arith.constant 3 : i32
        %get3A_145 = arith.constant 0 : i32
        %get3A_146 = arith.index_cast %get3A : i32 to index
        %get3A_147 = arith.index_cast %get3A_145 : i32 to index
        %get3A_148 = arith.index_cast %add3A_144 : i32 to index
        %get3A_149 = tpu.vector_load %arg4[%get3A_146, %get3A_147, %get3A_148] {strides = array<i32>} : memref<4x2x2560xi32, #tpu.memory_space<vmem>>, vector<16xi32>,
        %add3A_150 = arith.constant 16 : i32
        %add3A_151 = arith.addi %mul3A_142, %add3A_150 : i32
        %get3A_152 = arith.constant 3 : i32
        %get3A_153 = arith.constant 0 : i32
        %get3A_154 = arith.index_cast %get3A_152 : i32 to index
        %get3A_155 = arith.index_cast %get3A_153 : i32 to index
        %get3A_156 = arith.index_cast %add3A_151 : i32 to index
        %get3A_157 = tpu.vector_load %arg4[%get3A_154, %get3A_155, %get3A_156] {strides = array<i32>} : memref<4x2x2560xi32, #tpu.memory_space<vmem>>, vector<16xi32>,
        %add3A_158 = arith.constant 32 : i32
        %add3A_159 = arith.addi %mul3A_142, %add3A_158 : i32
        %get3A_160 = arith.constant 3 : i32
        %get3A_161 = arith.constant 0 : i32
        %get3A_162 = arith.index_cast %get3A_160 : i32 to index
        %get3A_163 = arith.index_cast %get3A_161 : i32 to index
        %get3A_164 = arith.index_cast %add3A_159 : i32 to index
        %get3A_165 = tpu.vector_load %arg4[%get3A_162, %get3A_163, %get3A_164] {strides = array<i32>} : memref<4x2x2560xi32, #tpu.memory_space<vmem>>, vector<16xi32>,
        %add3A_166 = arith.constant 48 : i32
        %add3A_167 = arith.addi %mul3A_142, %add3A_166 : i32
        %get3A_168 = arith.constant 3 : i32
        %get3A_169 = arith.constant 0 : i32
        %get3A_170 = arith.index_cast %get3A_168 : i32 to index
        %get3A_171 = arith.index_cast %get3A_169 : i32 to index
        %get3A_172 = arith.index_cast %add3A_167 : i32 to index
        %get3A_173 = tpu.vector_load %arg4[%get3A_170, %get3A_171, %get3A_172] {strides = array<i32>} : memref<4x2x2560xi32, #tpu.memory_space<vmem>>, vector<16xi32>,
        %add3A_174 = arith.constant 0 : i32
        %add3A_175 = arith.addi %mul3A_142, %add3A_174 : i32
        %get3A_176 = arith.constant 3 : i32
        %get3A_177 = arith.constant 1 : i32
        %get3A_178 = arith.index_cast %get3A_176 : i32 to index
        %get3A_179 = arith.index_cast %get3A_177 : i32 to index
        %get3A_180 = arith.index_cast %add3A_175 : i32 to index
        %get3A_181 = tpu.vector_load %arg4[%get3A_178, %get3A_179, %get3A_180] {strides = array<i32>} : memref<4x2x2560xi32, #tpu.memory_space<vmem>>, vector<16xi32>,
        %add3A_182 = arith.constant 16 : i32
        %add3A_183 = arith.addi %mul3A_142, %add3A_182 : i32
        %get3A_184 = arith.constant 3 : i32
        %get3A_185 = arith.constant 1 : i32
        %get3A_186 = arith.index_cast %get3A_184 : i32 to index
        %get3A_187 = arith.index_cast %get3A_185 : i32 to index
        %get3A_188 = arith.index_cast %add3A_183 : i32 to index
        %get3A_189 = tpu.vector_load %arg4[%get3A_186, %get3A_187, %get3A_188] {strides = array<i32>} : memref<4x2x2560xi32, #tpu.memory_space<vmem>>, vector<16xi32>,
        %add3A_190 = arith.constant 32 : i32
        %add3A_191 = arith.addi %mul3A_142, %add3A_190 : i32
        %get3A_192 = arith.constant 3 : i32
        %get3A_193 = arith.constant 1 : i32
        %get3A_194 = arith.index_cast %get3A_192 : i32 to index
        %get3A_195 = arith.index_cast %get3A_193 : i32 to index
        %get3A_196 = arith.index_cast %add3A_191 : i32 to index
        %get3A_197 = tpu.vector_load %arg4[%get3A_194, %get3A_195, %get3A_196] {strides = array<i32>} : memref<4x2x2560xi32, #tpu.memory_space<vmem>>, vector<16xi32>,
        %add3A_198 = arith.constant 48 : i32
        %add3A_199 = arith.addi %mul3A_142, %add3A_198 : i32
        %get3A_200 = arith.constant 3 : i32
        %get3A_201 = arith.constant 1 : i32
        %get3A_202 = arith.index_cast %get3A_200 : i32 to index
        %get3A_203 = arith.index_cast %get3A_201 : i32 to index
        %get3A_204 = arith.index_cast %add3A_199 : i32 to index
        %get3A_205 = tpu.vector_load %arg4[%get3A_202, %get3A_203, %get3A_204] {strides = array<i32>} : memref<4x2x2560xi32, #tpu.memory_space<vmem>>, vector<16xi32>,
        tpu.vector_store_idx %arg5[%get3A_149], %broadcast_in_dim3A_110 {add = true} : memref<10000xi32, #tpu.memory_space<vmem>>[vector<16xi32>], vector<16xi32>,
        tpu.vector_store_idx %arg5[%get3A_157], %broadcast_in_dim3A_110 {add = true} : memref<10000xi32, #tpu.memory_space<vmem>>[vector<16xi32>], vector<16xi32>,
        tpu.vector_store_idx %arg5[%get3A_165], %broadcast_in_dim3A_110 {add = true} : memref<10000xi32, #tpu.memory_space<vmem>>[vector<16xi32>], vector<16xi32>,
        tpu.vector_store_idx %arg5[%get3A_173], %broadcast_in_dim3A_110 {add = true} : memref<10000xi32, #tpu.memory_space<vmem>>[vector<16xi32>], vector<16xi32>,
        tpu.vector_store_idx %arg6[%get3A_181], %broadcast_in_dim3A_110 {add = true} : memref<10000xi32, #tpu.memory_space<vmem>>[vector<16xi32>], vector<16xi32>,
        tpu.vector_store_idx %arg6[%get3A_189], %broadcast_in_dim3A_110 {add = true} : memref<10000xi32, #tpu.memory_space<vmem>>[vector<16xi32>], vector<16xi32>,
        tpu.vector_store_idx %arg6[%get3A_197], %broadcast_in_dim3A_110 {add = true} : memref<10000xi32, #tpu.memory_space<vmem>>[vector<16xi32>], vector<16xi32>,
        tpu.vector_store_idx %arg6[%get3A_205], %broadcast_in_dim3A_110 {add = true} : memref<10000xi32, #tpu.memory_space<vmem>>[vector<16xi32>], vector<16xi32>,
        %scan3A_206 = arith.constant 1 : i32
        %scan3A_207 = arith.addi %scan3A_140, %scan3A_206 : i32
        %mul3A_208 = arith.constant 64 : i32
        %mul3A_209 = arith.muli %scan3A_207, %mul3A_208 : i32
        %add3A_210 = arith.constant 0 : i32
        %add3A_211 = arith.addi %mul3A_209, %add3A_210 : i32
        %get3A_212 = arith.constant 3 : i32
        %get3A_213 = arith.constant 0 : i32
        %get3A_214 = arith.index_cast %get3A_212 : i32 to index
        %get3A_215 = arith.index_cast %get3A_213 : i32 to index
        %get3A_216 = arith.index_cast %add3A_211 : i32 to index
        %get3A_217 = tpu.vector_load %arg4[%get3A_214, %get3A_215, %get3A_216] {strides = array<i32>} : memref<4x2x2560xi32, #tpu.memory_space<vmem>>, vector<16xi32>,
        %add3A_218 = arith.constant 16 : i32
        %add3A_219 = arith.addi %mul3A_209, %add3A_218 : i32
        %get3A_220 = arith.constant 3 : i32
        %get3A_221 = arith.constant 0 : i32
        %get3A_222 = arith.index_cast %get3A_220 : i32 to index
        %get3A_223 = arith.index_cast %get3A_221 : i32 to index
        %get3A_224 = arith.index_cast %add3A_219 : i32 to index
        %get3A_225 = tpu.vector_load %arg4[%get3A_222, %get3A_223, %get3A_224] {strides = array<i32>} : memref<4x2x2560xi32, #tpu.memory_space<vmem>>, vector<16xi32>,
        %add3A_226 = arith.constant 32 : i32
        %add3A_227 = arith.addi %mul3A_209, %add3A_226 : i32
        %get3A_228 = arith.constant 3 : i32
        %get3A_229 = arith.constant 0 : i32
        %get3A_230 = arith.index_cast %get3A_228 : i32 to index
        %get3A_231 = arith.index_cast %get3A_229 : i32 to index
        %get3A_232 = arith.index_cast %add3A_227 : i32 to index
        %get3A_233 = tpu.vector_load %arg4[%get3A_230, %get3A_231, %get3A_232] {strides = array<i32>} : memref<4x2x2560xi32, #tpu.memory_space<vmem>>, vector<16xi32>,
        %add3A_234 = arith.constant 48 : i32
        %add3A_235 = arith.addi %mul3A_209, %add3A_234 : i32
        %get3A_236 = arith.constant 3 : i32
        %get3A_237 = arith.constant 0 : i32
        %get3A_238 = arith.index_cast %get3A_236 : i32 to index
        %get3A_239 = arith.index_cast %get3A_237 : i32 to index
        %get3A_240 = arith.index_cast %add3A_235 : i32 to index
        %get3A_241 = tpu.vector_load %arg4[%get3A_238, %get3A_239, %get3A_240] {strides = array<i32>} : memref<4x2x2560xi32, #tpu.memory_space<vmem>>, vector<16xi32>,
        %add3A_242 = arith.constant 0 : i32
        %add3A_243 = arith.addi %mul3A_209, %add3A_242 : i32
        %get3A_244 = arith.constant 3 : i32
        %get3A_245 = arith.constant 1 : i32
        %get3A_246 = arith.index_cast %get3A_244 : i32 to index
        %get3A_247 = arith.index_cast %get3A_245 : i32 to index
        %get3A_248 = arith.index_cast %add3A_243 : i32 to index
        %get3A_249 = tpu.vector_load %arg4[%get3A_246, %get3A_247, %get3A_248] {strides = array<i32>} : memref<4x2x2560xi32, #tpu.memory_space<vmem>>, vector<16xi32>,
        %add3A_250 = arith.constant 16 : i32
        %add3A_251 = arith.addi %mul3A_209, %add3A_250 : i32
        %get3A_252 = arith.constant 3 : i32
        %get3A_253 = arith.constant 1 : i32
        %get3A_254 = arith.index_cast %get3A_252 : i32 to index
        %get3A_255 = arith.index_cast %get3A_253 : i32 to index
        %get3A_256 = arith.index_cast %add3A_251 : i32 to index
        %get3A_257 = tpu.vector_load %arg4[%get3A_254, %get3A_255, %get3A_256] {strides = array<i32>} : memref<4x2x2560xi32, #tpu.memory_space<vmem>>, vector<16xi32>,
        %add3A_258 = arith.constant 32 : i32
        %add3A_259 = arith.addi %mul3A_209, %add3A_258 : i32
        %get3A_260 = arith.constant 3 : i32
        %get3A_261 = arith.constant 1 : i32
        %get3A_262 = arith.index_cast %get3A_260 : i32 to index
        %get3A_263 = arith.index_cast %get3A_261 : i32 to index
        %get3A_264 = arith.index_cast %add3A_259 : i32 to index
        %get3A_265 = tpu.vector_load %arg4[%get3A_262, %get3A_263, %get3A_264] {strides = array<i32>} : memref<4x2x2560xi32, #tpu.memory_space<vmem>>, vector<16xi32>,
        %add3A_266 = arith.constant 48 : i32
        %add3A_267 = arith.addi %mul3A_209, %add3A_266 : i32
        %get3A_268 = arith.constant 3 : i32
        %get3A_269 = arith.constant 1 : i32
        %get3A_270 = arith.index_cast %get3A_268 : i32 to index
        %get3A_271 = arith.index_cast %get3A_269 : i32 to index
        %get3A_272 = arith.index_cast %add3A_267 : i32 to index
        %get3A_273 = tpu.vector_load %arg4[%get3A_270, %get3A_271, %get3A_272] {strides = array<i32>} : memref<4x2x2560xi32, #tpu.memory_space<vmem>>, vector<16xi32>,
        tpu.vector_store_idx %arg5[%get3A_217], %broadcast_in_dim3A_110 {add = true} : memref<10000xi32, #tpu.memory_space<vmem>>[vector<16xi32>], vector<16xi32>,
        tpu.vector_store_idx %arg5[%get3A_225], %broadcast_in_dim3A_110 {add = true} : memref<10000xi32, #tpu.memory_space<vmem>>[vector<16xi32>], vector<16xi32>,
        tpu.vector_store_idx %arg5[%get3A_233], %broadcast_in_dim3A_110 {add = true} : memref<10000xi32, #tpu.memory_space<vmem>>[vector<16xi32>], vector<16xi32>,
        tpu.vector_store_idx %arg5[%get3A_241], %broadcast_in_dim3A_110 {add = true} : memref<10000xi32, #tpu.memory_space<vmem>>[vector<16xi32>], vector<16xi32>,
        tpu.vector_store_idx %arg6[%get3A_249], %broadcast_in_dim3A_110 {add = true} : memref<10000xi32, #tpu.memory_space<vmem>>[vector<16xi32>], vector<16xi32>,
        tpu.vector_store_idx %arg6[%get3A_257], %broadcast_in_dim3A_110 {add = true} : memref<10000xi32, #tpu.memory_space<vmem>>[vector<16xi32>], vector<16xi32>,
        tpu.vector_store_idx %arg6[%get3A_265], %broadcast_in_dim3A_110 {add = true} : memref<10000xi32, #tpu.memory_space<vmem>>[vector<16xi32>], vector<16xi32>,
        tpu.vector_store_idx %arg6[%get3A_273], %broadcast_in_dim3A_110 {add = true} : memref<10000xi32, #tpu.memory_space<vmem>>[vector<16xi32>], vector<16xi32>,
        %scan3A_274 = arith.constant 2 : i32
        %scan3A_275 = arith.addi %scan3A_140, %scan3A_274 : i32
        %mul3A_276 = arith.constant 64 : i32
        %mul3A_277 = arith.muli %scan3A_275, %mul3A_276 : i32
        %add3A_278 = arith.constant 0 : i32
        %add3A_279 = arith.addi %mul3A_277, %add3A_278 : i32
        %get3A_280 = arith.constant 3 : i32
        %get3A_281 = arith.constant 0 : i32
        %get3A_282 = arith.index_cast %get3A_280 : i32 to index
        %get3A_283 = arith.index_cast %get3A_281 : i32 to index
        %get3A_284 = arith.index_cast %add3A_279 : i32 to index
        %get3A_285 = tpu.vector_load %arg4[%get3A_282, %get3A_283, %get3A_284] {strides = array<i32>} : memref<4x2x2560xi32, #tpu.memory_space<vmem>>, vector<16xi32>,
        %add3A_286 = arith.constant 16 : i32
        %add3A_287 = arith.addi %mul3A_277, %add3A_286 : i32
        %get3A_288 = arith.constant 3 : i32
        %get3A_289 = arith.constant 0 : i32
        %get3A_290 = arith.index_cast %get3A_288 : i32 to index
        %get3A_291 = arith.index_cast %get3A_289 : i32 to index
        %get3A_292 = arith.index_cast %add3A_287 : i32 to index
        %get3A_293 = tpu.vector_load %arg4[%get3A_290, %get3A_291, %get3A_292] {strides = array<i32>} : memref<4x2x2560xi32, #tpu.memory_space<vmem>>, vector<16xi32>,
        %add3A_294 = arith.constant 32 : i32
        %add3A_295 = arith.addi %mul3A_277, %add3A_294 : i32
        %get3A_296 = arith.constant 3 : i32
        %get3A_297 = arith.constant 0 : i32
        %get3A_298 = arith.index_cast %get3A_296 : i32 to index
        %get3A_299 = arith.index_cast %get3A_297 : i32 to index
        %get3A_300 = arith.index_cast %add3A_295 : i32 to index
        %get3A_301 = tpu.vector_load %arg4[%get3A_298, %get3A_299, %get3A_300] {strides = array<i32>} : memref<4x2x2560xi32, #tpu.memory_space<vmem>>, vector<16xi32>,
        %add3A_302 = arith.constant 48 : i32
        %add3A_303 = arith.addi %mul3A_277, %add3A_302 : i32
        %get3A_304 = arith.constant 3 : i32
        %get3A_305 = arith.constant 0 : i32
        %get3A_306 = arith.index_cast %get3A_304 : i32 to index
        %get3A_307 = arith.index_cast %get3A_305 : i32 to index
        %get3A_308 = arith.index_cast %add3A_303 : i32 to index
        %get3A_309 = tpu.vector_load %arg4[%get3A_306, %get3A_307, %get3A_308] {strides = array<i32>} : memref<4x2x2560xi32, #tpu.memory_space<vmem>>, vector<16xi32>,
        %add3A_310 = arith.constant 0 : i32
        %add3A_311 = arith.addi %mul3A_277, %add3A_310 : i32
        %get3A_312 = arith.constant 3 : i32
        %get3A_313 = arith.constant 1 : i32
        %get3A_314 = arith.index_cast %get3A_312 : i32 to index
        %get3A_315 = arith.index_cast %get3A_313 : i32 to index
        %get3A_316 = arith.index_cast %add3A_311 : i32 to index
        %get3A_317 = tpu.vector_load %arg4[%get3A_314, %get3A_315, %get3A_316] {strides = array<i32>} : memref<4x2x2560xi32, #tpu.memory_space<vmem>>, vector<16xi32>,
        %add3A_318 = arith.constant 16 : i32
        %add3A_319 = arith.addi %mul3A_277, %add3A_318 : i32
        %get3A_320 = arith.constant 3 : i32
        %get3A_321 = arith.constant 1 : i32
        %get3A_322 = arith.index_cast %get3A_320 : i32 to index
        %get3A_323 = arith.index_cast %get3A_321 : i32 to index
        %get3A_324 = arith.index_cast %add3A_319 : i32 to index
        %get3A_325 = tpu.vector_load %arg4[%get3A_322, %get3A_323, %get3A_324] {strides = array<i32>} : memref<4x2x2560xi32, #tpu.memory_space<vmem>>, vector<16xi32>,
        %add3A_326 = arith.constant 32 : i32
        %add3A_327 = arith.addi %mul3A_277, %add3A_326 : i32
        %get3A_328 = arith.constant 3 : i32
        %get3A_329 = arith.constant 1 : i32
        %get3A_330 = arith.index_cast %get3A_328 : i32 to index
        %get3A_331 = arith.index_cast %get3A_329 : i32 to index
        %get3A_332 = arith.index_cast %add3A_327 : i32 to index
        %get3A_333 = tpu.vector_load %arg4[%get3A_330, %get3A_331, %get3A_332] {strides = array<i32>} : memref<4x2x2560xi32, #tpu.memory_space<vmem>>, vector<16xi32>,
        %add3A_334 = arith.constant 48 : i32
        %add3A_335 = arith.addi %mul3A_277, %add3A_334 : i32
        %get3A_336 = arith.constant 3 : i32
        %get3A_337 = arith.constant 1 : i32
        %get3A_338 = arith.index_cast %get3A_336 : i32 to index
        %get3A_339 = arith.index_cast %get3A_337 : i32 to index
        %get3A_340 = arith.index_cast %add3A_335 : i32 to index
        %get3A_341 = tpu.vector_load %arg4[%get3A_338, %get3A_339, %get3A_340] {strides = array<i32>} : memref<4x2x2560xi32, #tpu.memory_space<vmem>>, vector<16xi32>,
        tpu.vector_store_idx %arg5[%get3A_285], %broadcast_in_dim3A_110 {add = true} : memref<10000xi32, #tpu.memory_space<vmem>>[vector<16xi32>], vector<16xi32>,
        tpu.vector_store_idx %arg5[%get3A_293], %broadcast_in_dim3A_110 {add = true} : memref<10000xi32, #tpu.memory_space<vmem>>[vector<16xi32>], vector<16xi32>,
        tpu.vector_store_idx %arg5[%get3A_301], %broadcast_in_dim3A_110 {add = true} : memref<10000xi32, #tpu.memory_space<vmem>>[vector<16xi32>], vector<16xi32>,
        tpu.vector_store_idx %arg5[%get3A_309], %broadcast_in_dim3A_110 {add = true} : memref<10000xi32, #tpu.memory_space<vmem>>[vector<16xi32>], vector<16xi32>,
        tpu.vector_store_idx %arg6[%get3A_317], %broadcast_in_dim3A_110 {add = true} : memref<10000xi32, #tpu.memory_space<vmem>>[vector<16xi32>], vector<16xi32>,
        tpu.vector_store_idx %arg6[%get3A_325], %broadcast_in_dim3A_110 {add = true} : memref<10000xi32, #tpu.memory_space<vmem>>[vector<16xi32>], vector<16xi32>,
        tpu.vector_store_idx %arg6[%get3A_333], %broadcast_in_dim3A_110 {add = true} : memref<10000xi32, #tpu.memory_space<vmem>>[vector<16xi32>], vector<16xi32>,
        tpu.vector_store_idx %arg6[%get3A_341], %broadcast_in_dim3A_110 {add = true} : memref<10000xi32, #tpu.memory_space<vmem>>[vector<16xi32>], vector<16xi32>,
        %scan3A_342 = arith.constant 3 : i32
        %scan3A_343 = arith.addi %scan3A_140, %scan3A_342 : i32
        %mul3A_344 = arith.constant 64 : i32
        %mul3A_345 = arith.muli %scan3A_343, %mul3A_344 : i32
        %add3A_346 = arith.constant 0 : i32
        %add3A_347 = arith.addi %mul3A_345, %add3A_346 : i32
        %get3A_348 = arith.constant 3 : i32
        %get3A_349 = arith.constant 0 : i32
        %get3A_350 = arith.index_cast %get3A_348 : i32 to index
        %get3A_351 = arith.index_cast %get3A_349 : i32 to index
        %get3A_352 = arith.index_cast %add3A_347 : i32 to index
        %get3A_353 = tpu.vector_load %arg4[%get3A_350, %get3A_351, %get3A_352] {strides = array<i32>} : memref<4x2x2560xi32, #tpu.memory_space<vmem>>, vector<16xi32>,
        %add3A_354 = arith.constant 16 : i32
        %add3A_355 = arith.addi %mul3A_345, %add3A_354 : i32
        %get3A_356 = arith.constant 3 : i32
        %get3A_357 = arith.constant 0 : i32
        %get3A_358 = arith.index_cast %get3A_356 : i32 to index
        %get3A_359 = arith.index_cast %get3A_357 : i32 to index
        %get3A_360 = arith.index_cast %add3A_355 : i32 to index
        %get3A_361 = tpu.vector_load %arg4[%get3A_358, %get3A_359, %get3A_360] {strides = array<i32>} : memref<4x2x2560xi32, #tpu.memory_space<vmem>>, vector<16xi32>,
        %add3A_362 = arith.constant 32 : i32
        %add3A_363 = arith.addi %mul3A_345, %add3A_362 : i32
        %get3A_364 = arith.constant 3 : i32
        %get3A_365 = arith.constant 0 : i32
        %get3A_366 = arith.index_cast %get3A_364 : i32 to index
        %get3A_367 = arith.index_cast %get3A_365 : i32 to index
        %get3A_368 = arith.index_cast %add3A_363 : i32 to index
        %get3A_369 = tpu.vector_load %arg4[%get3A_366, %get3A_367, %get3A_368] {strides = array<i32>} : memref<4x2x2560xi32, #tpu.memory_space<vmem>>, vector<16xi32>,
        %add3A_370 = arith.constant 48 : i32
        %add3A_371 = arith.addi %mul3A_345, %add3A_370 : i32
        %get3A_372 = arith.constant 3 : i32
        %get3A_373 = arith.constant 0 : i32
        %get3A_374 = arith.index_cast %get3A_372 : i32 to index
        %get3A_375 = arith.index_cast %get3A_373 : i32 to index
        %get3A_376 = arith.index_cast %add3A_371 : i32 to index
        %get3A_377 = tpu.vector_load %arg4[%get3A_374, %get3A_375, %get3A_376] {strides = array<i32>} : memref<4x2x2560xi32, #tpu.memory_space<vmem>>, vector<16xi32>,
        %add3A_378 = arith.constant 0 : i32
        %add3A_379 = arith.addi %mul3A_345, %add3A_378 : i32
        %get3A_380 = arith.constant 3 : i32
        %get3A_381 = arith.constant 1 : i32
        %get3A_382 = arith.index_cast %get3A_380 : i32 to index
        %get3A_383 = arith.index_cast %get3A_381 : i32 to index
        %get3A_384 = arith.index_cast %add3A_379 : i32 to index
        %get3A_385 = tpu.vector_load %arg4[%get3A_382, %get3A_383, %get3A_384] {strides = array<i32>} : memref<4x2x2560xi32, #tpu.memory_space<vmem>>, vector<16xi32>,
        %add3A_386 = arith.constant 16 : i32
        %add3A_387 = arith.addi %mul3A_345, %add3A_386 : i32
        %get3A_388 = arith.constant 3 : i32
        %get3A_389 = arith.constant 1 : i32
        %get3A_390 = arith.index_cast %get3A_388 : i32 to index
        %get3A_391 = arith.index_cast %get3A_389 : i32 to index
        %get3A_392 = arith.index_cast %add3A_387 : i32 to index
        %get3A_393 = tpu.vector_load %arg4[%get3A_390, %get3A_391, %get3A_392] {strides = array<i32>} : memref<4x2x2560xi32, #tpu.memory_space<vmem>>, vector<16xi32>,
        %add3A_394 = arith.constant 32 : i32
        %add3A_395 = arith.addi %mul3A_345, %add3A_394 : i32
        %get3A_396 = arith.constant 3 : i32
        %get3A_397 = arith.constant 1 : i32
        %get3A_398 = arith.index_cast %get3A_396 : i32 to index
        %get3A_399 = arith.index_cast %get3A_397 : i32 to index
        %get3A_400 = arith.index_cast %add3A_395 : i32 to index
        %get3A_401 = tpu.vector_load %arg4[%get3A_398, %get3A_399, %get3A_400] {strides = array<i32>} : memref<4x2x2560xi32, #tpu.memory_space<vmem>>, vector<16xi32>,
        %add3A_402 = arith.constant 48 : i32
        %add3A_403 = arith.addi %mul3A_345, %add3A_402 : i32
        %get3A_404 = arith.constant 3 : i32
        %get3A_405 = arith.constant 1 : i32
        %get3A_406 = arith.index_cast %get3A_404 : i32 to index
        %get3A_407 = arith.index_cast %get3A_405 : i32 to index
        %get3A_408 = arith.index_cast %add3A_403 : i32 to index
        %get3A_409 = tpu.vector_load %arg4[%get3A_406, %get3A_407, %get3A_408] {strides = array<i32>} : memref<4x2x2560xi32, #tpu.memory_space<vmem>>, vector<16xi32>,
        tpu.vector_store_idx %arg5[%get3A_353], %broadcast_in_dim3A_110 {add = true} : memref<10000xi32, #tpu.memory_space<vmem>>[vector<16xi32>], vector<16xi32>,
        tpu.vector_store_idx %arg5[%get3A_361], %broadcast_in_dim3A_110 {add = true} : memref<10000xi32, #tpu.memory_space<vmem>>[vector<16xi32>], vector<16xi32>,
        tpu.vector_store_idx %arg5[%get3A_369], %broadcast_in_dim3A_110 {add = true} : memref<10000xi32, #tpu.memory_space<vmem>>[vector<16xi32>], vector<16xi32>,
        tpu.vector_store_idx %arg5[%get3A_377], %broadcast_in_dim3A_110 {add = true} : memref<10000xi32, #tpu.memory_space<vmem>>[vector<16xi32>], vector<16xi32>,
        tpu.vector_store_idx %arg6[%get3A_385], %broadcast_in_dim3A_110 {add = true} : memref<10000xi32, #tpu.memory_space<vmem>>[vector<16xi32>], vector<16xi32>,
        tpu.vector_store_idx %arg6[%get3A_393], %broadcast_in_dim3A_110 {add = true} : memref<10000xi32, #tpu.memory_space<vmem>>[vector<16xi32>], vector<16xi32>,
        tpu.vector_store_idx %arg6[%get3A_401], %broadcast_in_dim3A_110 {add = true} : memref<10000xi32, #tpu.memory_space<vmem>>[vector<16xi32>], vector<16xi32>,
        tpu.vector_store_idx %arg6[%get3A_409], %broadcast_in_dim3A_110 {add = true} : memref<10000xi32, #tpu.memory_space<vmem>>[vector<16xi32>], vector<16xi32>,
      }
      %scan3A_139 = arith.constant 40 : i32
    } else {
    }
    "tpu.region"() ({
      %run_scoped3A = tpu.sem_alloc : memref<!tpu.dma_semaphore, #tpu.memory_space<semaphore_mem>>
      %dma_start3A_134 = arith.constant 0 : i32
      %dma_start3A_135 = tpu.memref_slice %arg3[%add3A, %dma_start3A_134] : memref<64x10000xi32, #tpu.memory_space<hbm>> -> memref<1x10000xi32, #tpu.memory_space<hbm>>
      %dma_start3A_136 = tpu.memref_squeeze %dma_start3A_135 : memref<1x10000xi32, #tpu.memory_space<hbm>> -> memref<10000xi32, #tpu.memory_space<hbm>>
      %dma_start3A_137 = arith.constant 0 : i32
      %dma_start3A_138 = tpu.memref_slice %arg3[%add3A, %dma_start3A_137] : memref<64x10000xi32, #tpu.memory_space<hbm>> -> memref<1x10000xi32, #tpu.memory_space<hbm>>
      %dma_start3A_139 = tpu.memref_squeeze %dma_start3A_138 : memref<1x10000xi32, #tpu.memory_space<hbm>> -> memref<10000xi32, #tpu.memory_space<hbm>>
      tpu.enqueue_dma source(%arg5 : memref<10000xi32, #tpu.memory_space<vmem>>) target(%dma_start3A_139 : memref<10000xi32, #tpu.memory_space<hbm>>) target_semaphore(%run_scoped3A : memref<!tpu.dma_semaphore, #tpu.memory_space<semaphore_mem>>)
      %dma_wait3A_140 = arith.constant 0 : i32
      %dma_wait3A_141 = tpu.memref_slice %arg3[%add3A, %dma_wait3A_140] : memref<64x10000xi32, #tpu.memory_space<hbm>> -> memref<1x10000xi32, #tpu.memory_space<hbm>>
      %dma_wait3A_142 = tpu.memref_squeeze %dma_wait3A_141 : memref<1x10000xi32, #tpu.memory_space<hbm>> -> memref<10000xi32, #tpu.memory_space<hbm>>
      %dma_wait3A_143 = arith.constant 0 : i32
      %dma_wait3A_144 = tpu.memref_slice %arg3[%add3A, %dma_wait3A_143] : memref<64x10000xi32, #tpu.memory_space<hbm>> -> memref<1x10000xi32, #tpu.memory_space<hbm>>
      %dma_wait3A_145 = tpu.memref_squeeze %dma_wait3A_144 : memref<1x10000xi32, #tpu.memory_space<hbm>> -> memref<10000xi32, #tpu.memory_space<hbm>>
      tpu.wait_dma2 semaphore(%run_scoped3A : memref<!tpu.dma_semaphore, #tpu.memory_space<semaphore_mem>>) src(%arg5 : memref<10000xi32, #tpu.memory_space<vmem>>) dst(%dma_wait3A_145 : memref<10000xi32, #tpu.memory_space<hbm>>)
      tpu.yield
    }) : () -> ()
    %add3A_132 = arith.constant 32 : i32
    %add3A_133 = arith.addi %add3A_132, %add3A : i32
    "tpu.region"() ({
      %run_scoped3A = tpu.sem_alloc : memref<!tpu.dma_semaphore, #tpu.memory_space<semaphore_mem>>
      %dma_start3A_134 = arith.constant 0 : i32
      %dma_start3A_135 = tpu.memref_slice %arg3[%add3A_133, %dma_start3A_134] : memref<64x10000xi32, #tpu.memory_space<hbm>> -> memref<1x10000xi32, #tpu.memory_space<hbm>>
      %dma_start3A_136 = tpu.memref_squeeze %dma_start3A_135 : memref<1x10000xi32, #tpu.memory_space<hbm>> -> memref<10000xi32, #tpu.memory_space<hbm>>
      %dma_start3A_137 = arith.constant 0 : i32
      %dma_start3A_138 = tpu.memref_slice %arg3[%add3A_133, %dma_start3A_137] : memref<64x10000xi32, #tpu.memory_space<hbm>> -> memref<1x10000xi32, #tpu.memory_space<hbm>>
      %dma_start3A_139 = tpu.memref_squeeze %dma_start3A_138 : memref<1x10000xi32, #tpu.memory_space<hbm>> -> memref<10000xi32, #tpu.memory_space<hbm>>
      tpu.enqueue_dma source(%arg6 : memref<10000xi32, #tpu.memory_space<vmem>>) target(%dma_start3A_139 : memref<10000xi32, #tpu.memory_space<hbm>>) target_semaphore(%run_scoped3A : memref<!tpu.dma_semaphore, #tpu.memory_space<semaphore_mem>>)
      %dma_wait3A_140 = arith.constant 0 : i32
      %dma_wait3A_141 = tpu.memref_slice %arg3[%add3A_133, %dma_wait3A_140] : memref<64x10000xi32, #tpu.memory_space<hbm>> -> memref<1x10000xi32, #tpu.memory_space<hbm>>
      %dma_wait3A_142 = tpu.memref_squeeze %dma_wait3A_141 : memref<1x10000xi32, #tpu.memory_space<hbm>> -> memref<10000xi32, #tpu.memory_space<hbm>>
      %dma_wait3A_143 = arith.constant 0 : i32
      %dma_wait3A_144 = tpu.memref_slice %arg3[%add3A_133, %dma_wait3A_143] : memref<64x10000xi32, #tpu.memory_space<hbm>> -> memref<1x10000xi32, #tpu.memory_space<hbm>>
      %dma_wait3A_145 = tpu.memref_squeeze %dma_wait3A_144 : memref<1x10000xi32, #tpu.memory_space<hbm>> -> memref<10000xi32, #tpu.memory_space<hbm>>
      tpu.wait_dma2 semaphore(%run_scoped3A : memref<!tpu.dma_semaphore, #tpu.memory_space<semaphore_mem>>) src(%arg6 : memref<10000xi32, #tpu.memory_space<vmem>>) dst(%dma_wait3A_145 : memref<10000xi32, #tpu.memory_space<hbm>>)
      tpu.yield
    }) : () -> ()
    return
  }
}

module attributes {stable_mosaic.version = 14 : i64} {
  func.func @_reduce_body(%arg0: memref<10000x128xf32, #tpu.memory_space<vmem>>, %arg1: memref<64x10000xi32, #tpu.memory_space<vmem>>, %arg2: memref<1x1xf32, #tpu.memory_space<smem>>) attributes {dimension_semantics = [], scalar_prefetch = 0 : i64, scratch_operands = 0 : i64, tpu.core_type = #tpu.core_type<tc>} {
    %get3A = arith.constant 0 : index
    %get3A_0 = arith.constant 0 : index
    %get3A_1 = vector.load %arg1[%get3A, %get3A_0] : memref<64x10000xi32, #tpu.memory_space<vmem>>, vector<64x10000xi32>
    %convert_element_type3A = arith.sitofp %get3A_1 : vector<64x10000xi32> to vector<64x10000xf32>
    %get3A_2 = arith.constant 0 : index
    %get3A_3 = arith.constant 0 : index
    %get3A_4 = vector.load %arg0[%get3A_2, %get3A_3] : memref<10000x128xf32, #tpu.memory_space<vmem>>, vector<10000x128xf32>
    %dot_general3A = arith.constant dense<0.000000e+00> : vector<64x128xf32>
    %dot_general3A_5 = tpu.matmul %convert_element_type3A, %get3A_4, %dot_general3A {dimension_numbers = #tpu.dot_dimension_numbers<[1], [0], [0], [1], [0, 0, 1, 1], [], []>, precision = #tpu.contract_precision<fp32>, transpose_lhs_hint = false} : vector<64x10000xf32>, vector<10000x128xf32>, vector<64x128xf32> -> vector<64x128xf32>
    %mul3A = arith.mulf %get3A_4, %get3A_4 : vector<10000x128xf32>
    %reduce_sum3A = arith.constant dense<0.000000e+00> : vector<10000xf32>
    %reduce_sum3A_6 = vector.multi_reduction <add>, %mul3A, %reduce_sum3A [1] : vector<10000x128xf32> to vector<10000xf32>
    %broadcast_in_dim3A = vector.shape_cast %reduce_sum3A_6 : vector<10000xf32> to vector<10000x1xf32>
    %slice3A = vector.extract_strided_slice %convert_element_type3A {offsets = [0, 0], sizes = [32, 10000], strides = [1, 1]} : vector<64x10000xf32> to vector<32x10000xf32>
    %dot_general3A_7 = arith.constant dense<0.000000e+00> : vector<32x1xf32>
    %dot_general3A_8 = tpu.matmul %slice3A, %broadcast_in_dim3A, %dot_general3A_7 {dimension_numbers = #tpu.dot_dimension_numbers<[1], [0], [0], [1], [0, 0, 1, 1], [], []>, transpose_lhs_hint = false} : vector<32x10000xf32>, vector<10000x1xf32>, vector<32x1xf32> -> vector<32x1xf32>
    %slice3A_9 = vector.extract_strided_slice %dot_general3A_5 {offsets = [0, 0], sizes = [32, 128], strides = [1, 1]} : vector<64x128xf32> to vector<32x128xf32>
    %reduce_sum3A_10 = arith.constant dense<0.000000e+00> : vector<128xf32>
    %reduce_sum3A_11 = vector.multi_reduction <add>, %slice3A_9, %reduce_sum3A_10 [0] : vector<32x128xf32> to vector<128xf32>
    %broadcast_in_dim3A_12 = vector.shape_cast %reduce_sum3A_11 : vector<128xf32> to vector<1x128xf32>
    %slice3A_13 = vector.extract_strided_slice %dot_general3A_5 {offsets = [32, 0], sizes = [32, 128], strides = [1, 1]} : vector<64x128xf32> to vector<32x128xf32>
    %reduce_sum3A_14 = arith.constant dense<0.000000e+00> : vector<128xf32>
    %reduce_sum3A_15 = vector.multi_reduction <add>, %slice3A_13, %reduce_sum3A_14 [0] : vector<32x128xf32> to vector<128xf32>
    %broadcast_in_dim3A_16 = vector.shape_cast %reduce_sum3A_15 : vector<128xf32> to vector<1x128xf32>
    %reduce_sum3A_17 = vector.shape_cast %dot_general3A_8 : vector<32x1xf32> to vector<1x32x1xf32>
    %reduce_sum3A_18 = arith.constant dense<0.000000e+00> : vector<1xf32>
    %reduce_sum3A_19 = vector.multi_reduction <add>, %reduce_sum3A_17, %reduce_sum3A_18 [1, 2] : vector<1x32x1xf32> to vector<1xf32>
    %reduce_sum3A_20 = vector.shape_cast %reduce_sum3A_19 : vector<1xf32> to vector<1x1x1xf32>
    %reduce_sum3A_21 = vector.extract %reduce_sum3A_20[0, 0, 0] : f32 from vector<1x1x1xf32>
    %mul3A_22 = arith.mulf %broadcast_in_dim3A_12, %broadcast_in_dim3A_16 : vector<1x128xf32>
    %reduce_sum3A_23 = vector.shape_cast %mul3A_22 : vector<1x128xf32> to vector<1x1x128xf32>
    %reduce_sum3A_24 = arith.constant dense<0.000000e+00> : vector<1xf32>
    %reduce_sum3A_25 = vector.multi_reduction <add>, %reduce_sum3A_23, %reduce_sum3A_24 [1, 2] : vector<1x1x128xf32> to vector<1xf32>
    %reduce_sum3A_26 = vector.shape_cast %reduce_sum3A_25 : vector<1xf32> to vector<1x1x1xf32>
    %reduce_sum3A_27 = vector.extract %reduce_sum3A_26[0, 0, 0] : f32 from vector<1x1x1xf32>
    %mul3A_28 = arith.mulf %broadcast_in_dim3A_16, %broadcast_in_dim3A_16 : vector<1x128xf32>
    %reduce_sum3A_29 = vector.shape_cast %mul3A_28 : vector<1x128xf32> to vector<1x1x128xf32>
    %reduce_sum3A_30 = arith.constant dense<0.000000e+00> : vector<1xf32>
    %reduce_sum3A_31 = vector.multi_reduction <add>, %reduce_sum3A_29, %reduce_sum3A_30 [1, 2] : vector<1x1x128xf32> to vector<1xf32>
    %reduce_sum3A_32 = vector.shape_cast %reduce_sum3A_31 : vector<1xf32> to vector<1x1x1xf32>
    %reduce_sum3A_33 = vector.extract %reduce_sum3A_32[0, 0, 0] : f32 from vector<1x1x1xf32>
    %mul3A_34 = arith.constant 2.000000e+00 : f32
    %mul3A_35 = arith.mulf %mul3A_34, %reduce_sum3A_27 : f32
    %sub3A = arith.subf %reduce_sum3A_21, %mul3A_35 : f32
    %mul3A_36 = arith.constant 3.200000e+05 : f32
    %mul3A_37 = arith.mulf %mul3A_36, %reduce_sum3A_33 : f32
    %add3A = arith.addf %sub3A, %mul3A_37 : f32
    %mul3A_38 = arith.constant 2.44140619E-9 : f32
    %mul3A_39 = arith.mulf %mul3A_38, %add3A : f32
    %swap3A = arith.constant 0 : index
    %swap3A_40 = arith.constant 0 : index
    %swap3A_41 = memref.load %arg2[%swap3A, %swap3A_40] : memref<1x1xf32, #tpu.memory_space<smem>>
    memref.store %mul3A_39, %arg2[%swap3A, %swap3A_40] : memref<1x1xf32, #tpu.memory_space<smem>>
    return
  }
}

</mosaic_0001>

<sc_bundles>
// kernel: kernel.4.cloned.1.call-start
scs
__scs_entry_jumppad:
0x0: {  	(pc) =	sbr.rel $0x88, $3  }
0x1: {  	(tag) =	ssettag $0x0;
	lr =	simm.s32 $0x1  }
0x2: {  	[smem:$0x3F9F] =	sst lr;
	_ =	strace $0xD0000000  }
0x3: {  	_ = 	snop  }
0x4: {  	_ = 	snop  }
0x5: {  	_ = 	snop  }
0x6: {  	_ = 	snop  }
0x7: {  	_ = 	snop  }
__scs_overlays_trampoline_lowered:
0x8: {  	[smem:$0x3FAE] =	sst s0  }
0x9: {  	[smem:$0x3FAF] =	sst s1  }
0xa: {  	[smem:$0x3FB0] =	sst s2  }
0xb: {  	[smem:$0x3FB1] =	sst s3  }
0xc: {  	[smem:$0x3FB2] =	sst s4  }
0xd: {  	[smem:$0x3FB3] =	sst s5  }
0xe: {  	[smem:$0x3FB4] =	sst s6  }
0xf: {  	[smem:$0x3FB5] =	sst s7  }
0x10: {  	[smem:$0x3FB6] =	sst s8  }
0x11: {  	[smem:$0x3FB7] =	sst s9;
	s0 =	simm.s32 @!p0 $0x0  }
0x12: {  	s1 =	sld [smem:$0x3F9D];
	s0 =	simm.s32 @p0 $0x1  }
0x13: {  	[smem:$0x3FB8] =	sst s0;
	s0 =	simm.s32 @!p1 $0x0  }
0x14: {  	s2 =	sld [smem:$0x3F9C];
	s0 =	simm.s32 @p1 $0x1  }
0x15: {  	[smem:$0x3FB9] =	sst s0;
	s0 =	simm.s32 @!p2 $0x0  }
0x16: {  	s3 =	sld [smem:$0x3FDB];
	s0 =	simm.s32 @p2 $0x1  }
0x17: {  	s4 =	simm.s32 $0x1BF5;
	[smem:$0x3FBB] =	sst s0  }
0x18: {  	s0 =	sld [smem:$0x3F9E];
	_ =	swait.ge [sflag:s4], $0x0  }
0x19: {  	s7 =	sld [smem:$0x3F9F]  }
0x1a: {  	s8 =	sadd.s32 $0xFFFFE003, lr  }
0x1b: {  	s9 =	sadd.s32 $0xFFFFFEF7, lr;
	s5 =	simm.s32 $0xFFFFFFFF;
	p2 =	slt.u32 s8, $0xFFFFF086  }
0x1c: {  	p1 =	slt.u32 s9, $0xF7A;
	s5 =	simm.s32 @!p2 $0x0  }
0x1d: {  	s5 =	simm.s32 @p1 $0x1;
	p0 =	seq.s32 s7, s2  }
0x1e: {  	s7 =	smul.u32 @!p0 $0xF7A, s2;
	p2 =	seq.s32 @!p0 s5, $0x0  }
0x1f: {  	s9 =	smul.u32 $0xF7A, s1;
	s8 =	simm.s32 @!p0 $0x1BF5;
	p2 =	por !p2, p0  }
0x20: {  	[sflag:s8] =	ssyncset.s32 @!p0 $0xFFFFF086;
	s6 =	sadd.s32 @!p0 s3, s7;
	s7 =	simm.s32 @!p0 $0x108  }
0x21: {  	s3 =	sadd.s32 s3, s9;
	s6 =	sadd.s32 @!p0 $0x88, s6;
	s7 =	simm.s32 @p2 $0x1082  }
0x22: {  	[simem:s7], [sflag:s8] =	dma.local @!p0 [hbm:s6], $0xF7A  }
0x23: {  	s9 =	sor.u32 $0xD0000000, s2;
	s6 =	simm.s32 $0x108;
	_ =	swait.ge @!p0 [sflag:s8], $0x0  }
0x24: {  	s3 =	sadd.s32 $0x88, s3;
	s6 =	simm.s32 @!p1 $0x1082;
	[sflag:s4] =	ssyncset.s32 $0xFFFFF086  }
0x25: {  	[simem:s6], [sflag:s4] =	dma.local [hbm:s3], $0xF7A  }
0x26: {  	[smem:$0x3F9F] =	sst s1;
	(tag) =	ssettag s2;
	_ =	strace s9  }
0x27: {  	s1 =	sld [smem:$0x3FAF]  }
0x28: {  	s2 =	sld [smem:$0x3FB0]  }
0x29: {  	s4 =	sld [smem:$0x3FB2]  }
0x2a: {  	p0 =	seq.s32 s5, $0x0;
	s5 =	sld [smem:$0x3FB3]  }
0x2b: {  	s6 =	sld [smem:$0x3FB4]  }
0x2c: {  	s7 =	sld [smem:$0x3FB5]  }
0x2d: {  	s3 =	simm.s32 $0x108;
	s8 =	sld [smem:$0x3FB6]  }
0x2e: {  	s3 =	simm.s32 @!p0 $0x1082;
	s9 =	sld [smem:$0x3FB7]  }
0x2f: {  	lr =	sadd.s32 s0, s3;
	s0 =	sld [smem:$0x3FAE]  }
0x30: {  	s3 =	sld [smem:$0x3FB1]  }
0x31: {  	[smem:$0x3FBA] =	sst s10  }
0x32: {  	s10 =	sld [smem:$0x3FB8];
	_ =	sdelay $0x3  }
0x33: {  	p0 =	seq.s32 s10, $0x1;
	s10 =	sld [smem:$0x3FBA];
	_ =	sdelay $0x3  }
0x34: {  	[smem:$0x3FBA] =	sst s10  }
0x35: {  	s10 =	sld [smem:$0x3FB9];
	_ =	sdelay $0x3  }
0x36: {  	p1 =	seq.s32 s10, $0x1;
	s10 =	sld [smem:$0x3FBA];
	_ =	sdelay $0x3  }
0x37: {  	[smem:$0x3FBA] =	sst s10  }
0x38: {  	s10 =	sld [smem:$0x3FBB]  }
0x39: {  	_ = 	snop;
	(pc) =	sbr.ind lr, $3  }
0x3a: {  	_ = 	snop  }
0x3b: {  	_ = 	snop  }
0x3c: {  	p2 =	seq.s32 s10, $0x1;
	s10 =	sld [smem:$0x3FBA]  }
0x3d: {  	_ =	shalt  }
0x3e: {  	_ =	shalt  }
0x3f: {  	_ =	shalt  }
0x40: {  	_ =	shalt  }
0x41: {  	_ =	shalt  }
0x42: {  	_ =	shalt  }
0x43: {  	_ =	shalt  }
0x44: {  	_ =	shalt  }
0x45: {  	_ =	shalt  }
0x46: {  	_ =	shalt  }
0x47: {  	_ =	shalt  }
0x48: {  	_ =	shalt  }
0x49: {  	_ =	shalt  }
0x4a: {  	_ =	shalt  }
0x4b: {  	_ =	shalt  }
0x4c: {  	_ =	shalt  }
0x4d: {  	_ =	shalt  }
0x4e: {  	_ =	shalt  }
0x4f: {  	_ =	shalt  }
0x50: {  	_ =	shalt  }
0x51: {  	_ =	shalt  }
0x52: {  	_ =	shalt  }
0x53: {  	_ =	shalt  }
0x54: {  	_ =	shalt  }
0x55: {  	_ =	shalt  }
0x56: {  	_ =	shalt  }
0x57: {  	_ =	shalt  }
0x58: {  	_ =	shalt  }
0x59: {  	_ =	shalt  }
0x5a: {  	_ =	shalt  }
0x5b: {  	_ =	shalt  }
0x5c: {  	_ =	shalt  }
0x5d: {  	_ =	shalt  }
0x5e: {  	_ =	shalt  }
0x5f: {  	_ =	shalt  }
0x60: {  	_ =	shalt  }
0x61: {  	_ =	shalt  }
0x62: {  	_ =	shalt  }
0x63: {  	_ =	shalt  }
0x64: {  	_ =	shalt  }
0x65: {  	_ =	shalt  }
0x66: {  	_ =	shalt  }
0x67: {  	_ =	shalt  }
0x68: {  	_ =	shalt  }
0x69: {  	_ =	shalt  }
0x6a: {  	_ =	shalt  }
0x6b: {  	_ =	shalt  }
0x6c: {  	_ =	shalt  }
0x6d: {  	_ =	shalt  }
0x6e: {  	_ =	shalt  }
0x6f: {  	_ =	shalt  }
0x70: {  	_ =	shalt  }
0x71: {  	_ =	shalt  }
0x72: {  	_ =	shalt  }
0x73: {  	_ =	shalt  }
0x74: {  	_ =	shalt  }
0x75: {  	_ =	shalt  }
0x76: {  	_ =	shalt  }
0x77: {  	_ =	shalt  }
0x78: {  	_ =	shalt  }
0x79: {  	_ =	shalt  }
0x7a: {  	_ =	shalt  }
0x7b: {  	_ =	shalt  }
0x7c: {  	_ =	shalt  }
0x7d: {  	_ =	shalt  }
0x7e: {  	_ =	shalt  }
0x7f: {  	_ =	shalt  }
0x80: {  	_ =	shalt  }
0x81: {  	_ =	shalt  }
0x82: {  	_ =	shalt  }
0x83: {  	_ =	shalt  }
0x84: {  	_ =	shalt  }
0x85: {  	_ =	shalt  }
0x86: {  	_ =	shalt  }
0x87: {  	_ =	shalt  }
.Lfunc_end0:
.L_simem_size_0:
called_computation_lowered:
.L_overlay_start_0:
0x88: {  	s2 =	sld [smem:$0x3FD9]  }
0x89: {  	s3 =	sld [smem:$0x3FFE];
	_ =	sdelay $0x1  }
0x8a: {  	s1 =	srdreg.scid  }
0x8b: {  	s0 =	sand.u32 $0x1, s1  }
0x8c: {  	s17 =	sshll.u32 s0, $0xA;
	s2 =	sadd.s32 s3, s2  }
0x8d: {  	s2 =	sadd.s32 s2, s17  }
0x8e: {  	[smem:$0x3FC6] =	sst s2  }
0x8f: {  	_ = 	snop  }
0x90: {  	s2 =	sld [smem:$0x3FC8];
	(tm) =	ssettm $0x1  }
0x91: {  	s18 =	sld [smem:$0x3FFB];
	_ =	sdelay $0x3  }
0x92: {  	_ =	strace s18  }
0x93: {  	s3 =	sld [smem:$0x3FFC];
	_ =	sdelay $0x3  }
0x94: {  	_ =	strace s3  }
0x95: {  	s3 =	sld [smem:$0x3FFD];
	_ =	sdelay $0x3  }
0x96: {  	_ =	strace s3  }
0x97: {  	_ =	strace $0x8FFFFFFF  }
0x98: {  	s19 =	sld [smem:$0x3FDB];
	_ =	sdelay $0x1  }
0x99: {  	s4 =	simm.s32 $_scs_section_size  }
0x9a: {  	s5 =	simm.s32 $_size__tile_overlayer_lowered;
	s6 =	simm.s32 $_tile_overlayer_lowered  }
0x9b: {  	s22 =	simm.s32 $0x1BFF;
	s21 =	sshll.u32 s6, $0x1;
	s3 =	sadd.s32 s4, s19  }
0x9c: {  	s7 =	simm.s32 $0x0;
	s20 =	sshll.u32 s5, $0x1;
	s5 =	sadd.s32 s21, s3  }
0x9d: {  	[timem:s7], [sflag:s22] =	dma.local [hbm:s5], s20  }
0x9e: {  	_ =	swait.ge [sflag:s22], s20  }
0x9f: {  	s4 =	ssub.s32 $0x0, s20;
	[sflag:s22] =	ssyncset.done $0x0  }
0xa0: {  	[sflag:s22] =	ssyncadd.s32 s4;
	_ =	sdelay $0x1  }
0xa1: {  	s23 =	simm.s32 $0x1B8B  }
0xa2: {  	_ =	swait.ge [sflag:s23], $0x1  }
0xa3: {  	[sflag:s23] =	ssyncset.done $0x0  }
0xa4: {  	s25 =	simm.s32 $0x1B8E;
	s24 =	sld [smem:$0x3FFE];
	[sflag:s23] =	ssyncadd.s32 $0xFFFFFFFF  }
0xa5: {  	s26 =	simm.s32 $execute0_lowered;
	[smem:$0x3FD2] =	sst s25  }
0xa6: {  	s5 =	sshll.u32 s26, $0x1;
	_ =	strace $0x80000046;
	[dreg:$0x1] =	wrdreg $0xFFFFFFFF  }
0xa7: {  	s28 =	simm.s32 $_size_execute0_lowered;
	s3 =	sadd.s32 s3, s5;
	[dreg:$0x0] =	wrdreg $0x0  }
0xa8: {  	s5 =	sshll.u32 s28, $0x1;
	[dreg:$0x2] =	wrdreg s3  }
0xa9: {  	[dreg:$0x3] =	wrdreg s5  }
0xaa: {  	[dreg:$0x4] =	wrdreg $0xC0  }
0xab: {  	_ =	task [dreg:s7], $0x5FFFF  }
0xac: {  	[dreg:$0x1] =	wrdreg $0xFFFFFFFF  }
0xad: {  	[dreg:$0x0] =	wrdreg $0x60  }
0xae: {  	[dreg:$0x2] =	wrdreg s2  }
0xaf: {  	[dreg:$0x3] =	wrdreg s24  }
0xb0: {  	[dreg:$0x4] =	wrdreg $0x9  }
0xb1: {  	_ =	task.clear_ibuf [dreg:s7], $0x5FFFF;
	_ =	strace $0x90000046  }
0xb2: {  	s29 =	simm.s32 $0x9;
	_ =	strace $0x80000048  }
0xb3: {  	_ =	swait.ge [sflag:s29], $0x1  }
0xb4: {  	[sflag:s29] =	ssyncadd.s32 $0xFFFFFFFF  }
0xb5: {  	_ =	strace $0x90000048  }
0xb6: {  	_ =	sfence  }
0xb7: {  	s30 =	sld [smem:$0x0];
	_ =	sdelay $0x2  }
0xb8: {  	s31 =	sshll.u32 s1, $0xD;
	s1 =	sshrl.u32 s1, $0x2  }
0xb9: {  	s3 =	sand.u32 $0x4000, s31;
	s1 =	sadd.s32 s1, s30  }
0xba: {  	s0 =	sor.u32 s3, s0;
	s1 =	sshll.u32 s1, $0x11  }
0xbb: {  	s0 =	sor.u32 s1, s0  }
0xbc: {  	s0 =	sadd.s32 $0x8F2B, s0  }
0xbd: {  	[sflag:s0] =	ssyncadd.remote.s32 $0x1  }
0xbe: {  	_ =	sfence.sel $0xFFFF  }
0xbf: {  	[dreg:$0x0] =	wrdreg $0xFFFFFFFF;
	(pc) =	sbr.abs _section_cstart, $3  }
0xc0: {  	[dreg:$0x1] =	wrdreg $0xFFFFFFFF  }
0xc1: {  	_ =	task.clear_ibuf [dreg:s7], $0x2FFFF;
	_ =	strace $0x9FFFFFFF  }
0xc2: {  	(tm) =	ssettm $0x7FFFFFFF  }
0xc3: {  	_ =	shalt  }
tec
execute0_lowered:
.L_overlay_start_1:
0x0: {  	(tag) =	ssettag $0x1  }
0x1: {  	s5 =	rddreg [dreg:$0x0]  }
0x2: {  	s3 =	rddreg [dreg:$0x1]  }
0x3: {  	s0 =	rddreg [dreg:$0x2];
	s2 =	simm.s32 $0x0  }
0x4: {  	s4 =	srdreg.scid;
	s1 =	stileid.u32;
	s13 =	simm.s32 $0x5000  }
0x5: {  	s14 =	simm.s32 $0x7780;
	s15 =	simm.s32 $0x80;
	s16 =	simm.s32 $0x400  }
0x6: {  	s17 =	simm.s32 $0x2;
	s18 =	simm.s32 $0x0;
	[smem:$0x7FF] =	sst s2  }
0x7: {  	s4 =	sand.u32 $0x1, s4;
	s6 =	sshll.u32 s1, $0x1;
	s9 =	sadd.s32 $0x800, s3  }
0x8: {  	s31 =	sshrl.u32 s1, $0x2;
	s7 =	ssub.s32 $0x2, s4;
	s10 =	sor.u32 s4, s6  }
0x9: {  	_ =	strace $0x80000047;
	s28 =	sshrl.u32 s7, $0x1;
	s6 =	smul.u32 $0x280, s10  }
0xa: {  	s8 =	sor.u32 $0x20, s10;
	s30 =	smul.u32 $0x1400, s10;
	s12 =	sshll.u32 s10, $0x7  }
0xb: {  	p0 =	sgt.u32 s10, $0x1C;
	s10 =	simm.s32 $0x1400;
	s29 =	smul.u32 $0x280, s8  }
0xc: {  	s11 =	ssub.s32 s7, s28;
	s7 =	smul.u32 $0x13C00, s31;
	s8 =	sshrl.u32 s8, $0x3  }
0xd: {  	s3 =	sadd.s32 s5, s6;
	s6 =	sshrl.u32 s30, $0x3;
	s8 =	smul.u32 $0x13C00, s8  }
.Ltmp0:
0xe: {  	s12 =	sand.u32 $0x380, s12;
	s6 =	sadd.s32 s5, s6;
	(pc) =	sbr.rel .LBB2_1-.Ltmp0, $4  }
0xf: {  	s4 =	sadd.s32 s5, s29;
	s7 =	sor.u32 s7, s12;
	s5 =	sadd.s32 $0xA000, s6  }
0x10: {  	s7 =	sshrl.u32 s7, $0x3;
	s8 =	sor.u32 s12, s8;
	s6 =	sadd.s32 $0xF000, s6  }
0x11: {  	s12 =	simm.s32 $0x1;
	s7 =	sadd.s32 s9, s7;
	s8 =	sshrl.u32 s8, $0x3  }
0x12: {  	v0 =	vimm.s32 $0x0;
	v1 =	vimm.s32 $0x1;
	s8 =	sadd.s32 s9, s8;
	s9 =	smax.u32 s11, $0x1;
	s11 =	simm.s32 $0x2800  }
.LBB2_12:
0x13: {  	_ =	sdelay $0x3  }
0x14: {  	[tilespmem:v2+s14+$0x0] =	vst.idx.add.s32.msk $0xffff, v1  }
.LBB2_13:
0x15: {  	[hbm4b:s7+s15] =	stream.strided.scatter [tilespmem:s13], [sflag:$0x2], $0x2780, s16, s15, $0x38;
	[tilespmem:$0x9F00] =	vst v63  }
0x16: {  	s18 =	sadd.s32 $0x1, s18;
	_ =	swait.ge [sflag:s17], $0x2780  }
0x17: {  	p1 =	sne.s32 s18, s9;
	[sflag:s17] =	ssyncset.done $0x0  }
.Ltmp1:
0x18: {  	[sflag:s17] =	ssyncadd.s32 $0xFFFFD880;
	(pc) =	sbr.rel @!p1 .LBB2_14-.Ltmp1, $4  }
0x19: {  	[hbm4b:s8+s15] =	stream.strided.scatter [tilespmem:s14], [sflag:$0x2], $0x2780, s16, s15, $0x38;
	[tilespmem:$0x9F00] =	vst v63  }
0x1a: {  	_ =	swait.ge [sflag:s17], $0x2780  }
0x1b: {  	[sflag:s17] =	ssyncset.done $0x0  }
0x1c: {  	[sflag:s17] =	ssyncadd.s32 $0xFFFFD880  }
.LBB2_1:
0x1d: {  	[tilespmem:s2], [sflag:$0x1] =	stream.linear.gather [hbm4b:s3+s2], $0x1400, $0x38;
	[tilespmem:$0x9F00] =	vst v63  }
0x1e: {  	_ = 	snop  }
0x1f: {  	[tilespmem:s10], [sflag:$0x1] =	stream.linear.gather [hbm4b:s4+s2], $0x1400, $0x38;
	[tilespmem:$0x9F00] =	vst v63  }
0x20: {  	_ = 	snop  }
0x21: {  	[tilespmem:s11], [sflag:$0x1] =	stream.linear.gather [hbm4b:s5+s2], $0x1400, $0x38;
	[tilespmem:$0x9F00] =	vst v63  }
0x22: {  	s19 =	simm.s32 @!p0 $0x0;
	s20 =	simm.s32 @!p0 $0x3C00;
	s31 =	simm.s32 $0x5040  }
0x23: {  	[tilespmem:s20], [sflag:$0x1] =	stream.linear.gather @!p0 [hbm4b:s6+s19], $0x1400, $0x38;
	[tilespmem:$0x9F00] =	vst v63  }
0x24: {  	s19 =	simm.s32 $0x77C0;
	[tilespmem:s31+$0xFFFFFFC0] =	vst v0  }
0x25: {  	[tilespmem:s19+$0xFFFFFFC0] =	vst v0  }
0x26: {  	[tilespmem:s31+$0xFFFFFFD0] =	vst v0  }
0x27: {  	[tilespmem:s19+$0xFFFFFFD0] =	vst v0  }
0x28: {  	[tilespmem:s31+$0xFFFFFFE0] =	vst v0  }
0x29: {  	[tilespmem:s19+$0xFFFFFFE0] =	vst v0  }
0x2a: {  	[tilespmem:s31+$0xFFFFFFF0] =	vst v0  }
0x2b: {  	[tilespmem:s19+$0xFFFFFFF0] =	vst v0  }
0x2c: {  	[tilespmem:s31+$0x0] =	vst v0  }
0x2d: {  	[tilespmem:s19+$0x0] =	vst v0  }
0x2e: {  	[tilespmem:s31+$0x10] =	vst v0  }
0x2f: {  	[tilespmem:s19+$0x10] =	vst v0  }
0x30: {  	[tilespmem:s31+$0x20] =	vst v0  }
0x31: {  	[tilespmem:s19+$0x20] =	vst v0  }
0x32: {  	[tilespmem:s31+$0x30] =	vst v0  }
0x33: {  	s21 =	simm.s32 $0x50C0;
	s20 =	simm.s32 $0x0;
	[tilespmem:s19+$0x30] =	vst v0  }
.LBB2_2:
0x34: {  	[tilespmem:s21+$0xFFFFFFC0] =	vst v0;
	s19 =	sadd.s32 $0x80, s19  }
0x35: {  	[tilespmem:s19+$0xFFFFFFC0] =	vst v0  }
0x36: {  	[tilespmem:s21+$0xFFFFFFD0] =	vst v0  }
0x37: {  	[tilespmem:s19+$0xFFFFFFD0] =	vst v0  }
0x38: {  	[tilespmem:s21+$0xFFFFFFE0] =	vst v0  }
0x39: {  	[tilespmem:s19+$0xFFFFFFE0] =	vst v0  }
0x3a: {  	[tilespmem:s21+$0xFFFFFFF0] =	vst v0  }
0x3b: {  	[tilespmem:s19+$0xFFFFFFF0] =	vst v0  }
0x3c: {  	[tilespmem:s21+$0x0] =	vst v0  }
0x3d: {  	s20 =	sadd.s32 $0x8, s20;
	[tilespmem:s19+$0x0] =	vst v0  }
0x3e: {  	p1 =	slt.u32 s20, $0x268;
	[tilespmem:s21+$0x10] =	vst v0  }
.Ltmp2:
0x3f: {  	[tilespmem:s19+$0x10] =	vst v0;
	(pc) =	sbr.rel @p1 .LBB2_2-.Ltmp2, $4  }
0x40: {  	[tilespmem:s21+$0x20] =	vst v0  }
0x41: {  	[tilespmem:s19+$0x20] =	vst v0  }
0x42: {  	[tilespmem:s21+$0x30] =	vst v0  }
0x43: {  	s21 =	sadd.s32 $0x80, s21;
	[tilespmem:s19+$0x30] =	vst v0  }
0x44: {  	[tilespmem:$0x7700] =	vst v0  }
0x45: {  	[tilespmem:$0x9E80] =	vst v0  }
0x46: {  	_ =	swait.ge [sflag:s12], $0x1400  }
0x47: {  	[sflag:s12] =	ssyncset.done $0x0  }
0x48: {  	[sflag:s12] =	ssyncadd.s32 $0xFFFFEC00  }
0x49: {  	_ =	swait.ge [sflag:s12], $0x1400  }
0x4a: {  	[sflag:s12] =	ssyncset.done $0x0  }
0x4b: {  	[sflag:s12] =	ssyncadd.s32 $0xFFFFEC00  }
0x4c: {  	_ =	swait.ge [sflag:s12], $0x1400  }
0x4d: {  	[sflag:s12] =	ssyncset.done $0x0  }
0x4e: {  	s19 =	simm.s32 @!p0 $0x1;
	[sflag:s12] =	ssyncadd.s32 $0xFFFFEC00  }
0x4f: {  	_ =	swait.ge @!p0 [sflag:s19], $0x1400  }
0x50: {  	[sflag:s19] =	ssyncset.done @!p0 $0x0  }
0x51: {  	[sflag:s19] =	ssyncadd.s32 @!p0 $0xFFFFEC00;
	s19 =	simm.s32 $0x100  }
0x52: {  	v2 =	vld [tilespmem:s19+$0xFFFFFF00]  }
0x53: {  	v3 =	vld [tilespmem:s19+$0xFFFFFF10]  }
0x54: {  	v4 =	vld [tilespmem:s19+$0xFFFFFF20]  }
0x55: {  	v5 =	vld [tilespmem:s19+$0xFFFFFF30]  }
0x56: {  	v6 =	vld [tilespmem:s19+$0xFFFFFF80]  }
0x57: {  	v7 =	vld [tilespmem:s19+$0xFFFFFF90]  }
0x58: {  	v8 =	vld [tilespmem:s19+$0xFFFFFFA0]  }
0x59: {  	v9 =	vld [tilespmem:s19+$0xFFFFFFB0]  }
0x5a: {  	[tilespmem:v2+s13+$0x0] =	vst.idx.add.s32.msk $0xffff, v1  }
0x5b: {  	[tilespmem:v3+s13+$0x0] =	vst.idx.add.s32.msk $0xffff, v1  }
0x5c: {  	[tilespmem:v4+s13+$0x0] =	vst.idx.add.s32.msk $0xffff, v1  }
0x5d: {  	[tilespmem:v5+s13+$0x0] =	vst.idx.add.s32.msk $0xffff, v1  }
0x5e: {  	[tilespmem:v6+s14+$0x0] =	vst.idx.add.s32.msk $0xffff, v1  }
0x5f: {  	[tilespmem:v7+s14+$0x0] =	vst.idx.add.s32.msk $0xffff, v1  }
0x60: {  	[tilespmem:v8+s14+$0x0] =	vst.idx.add.s32.msk $0xffff, v1  }
0x61: {  	[tilespmem:v9+s14+$0x0] =	vst.idx.add.s32.msk $0xffff, v1  }
0x62: {  	v2 =	vld [tilespmem:s19+$0xFFFFFF40]  }
0x63: {  	v3 =	vld [tilespmem:s19+$0xFFFFFF50]  }
0x64: {  	v4 =	vld [tilespmem:s19+$0xFFFFFF60]  }
0x65: {  	v5 =	vld [tilespmem:s19+$0xFFFFFF70]  }
0x66: {  	v6 =	vld [tilespmem:s19+$0xFFFFFFC0]  }
0x67: {  	v7 =	vld [tilespmem:s19+$0xFFFFFFD0]  }
0x68: {  	v8 =	vld [tilespmem:s19+$0xFFFFFFE0]  }
0x69: {  	v9 =	vld [tilespmem:s19+$0xFFFFFFF0]  }
0x6a: {  	[tilespmem:v2+s13+$0x0] =	vst.idx.add.s32.msk $0xffff, v1  }
0x6b: {  	[tilespmem:v3+s13+$0x0] =	vst.idx.add.s32.msk $0xffff, v1  }
0x6c: {  	[tilespmem:v4+s13+$0x0] =	vst.idx.add.s32.msk $0xffff, v1  }
0x6d: {  	[tilespmem:v5+s13+$0x0] =	vst.idx.add.s32.msk $0xffff, v1  }
0x6e: {  	[tilespmem:v6+s14+$0x0] =	vst.idx.add.s32.msk $0xffff, v1  }
0x6f: {  	[tilespmem:v7+s14+$0x0] =	vst.idx.add.s32.msk $0xffff, v1  }
0x70: {  	[tilespmem:v8+s14+$0x0] =	vst.idx.add.s32.msk $0xffff, v1  }
0x71: {  	[tilespmem:v9+s14+$0x0] =	vst.idx.add.s32.msk $0xffff, v1  }
0x72: {  	v2 =	vld [tilespmem:s19+$0x0]  }
0x73: {  	v3 =	vld [tilespmem:s19+$0x10]  }
0x74: {  	v4 =	vld [tilespmem:s19+$0x20]  }
0x75: {  	v5 =	vld [tilespmem:s19+$0x30]  }
0x76: {  	v6 =	vld [tilespmem:s19+$0x80]  }
0x77: {  	v7 =	vld [tilespmem:s19+$0x90]  }
0x78: {  	v8 =	vld [tilespmem:s19+$0xA0]  }
0x79: {  	v9 =	vld [tilespmem:s19+$0xB0]  }
0x7a: {  	[tilespmem:v2+s13+$0x0] =	vst.idx.add.s32.msk $0xffff, v1  }
0x7b: {  	[tilespmem:v3+s13+$0x0] =	vst.idx.add.s32.msk $0xffff, v1  }
0x7c: {  	[tilespmem:v4+s13+$0x0] =	vst.idx.add.s32.msk $0xffff, v1  }
0x7d: {  	[tilespmem:v5+s13+$0x0] =	vst.idx.add.s32.msk $0xffff, v1  }
0x7e: {  	[tilespmem:v6+s14+$0x0] =	vst.idx.add.s32.msk $0xffff, v1  }
0x7f: {  	[tilespmem:v7+s14+$0x0] =	vst.idx.add.s32.msk $0xffff, v1  }
0x80: {  	[tilespmem:v8+s14+$0x0] =	vst.idx.add.s32.msk $0xffff, v1  }
0x81: {  	[tilespmem:v9+s14+$0x0] =	vst.idx.add.s32.msk $0xffff, v1  }
0x82: {  	v3 =	vld [tilespmem:s19+$0x40]  }
0x83: {  	v4 =	vld [tilespmem:s19+$0x50]  }
0x84: {  	v5 =	vld [tilespmem:s19+$0x60]  }
0x85: {  	v6 =	vld [tilespmem:s19+$0x70]  }
0x86: {  	v7 =	vld [tilespmem:s19+$0xC0]  }
0x87: {  	v8 =	vld [tilespmem:s19+$0xD0]  }
0x88: {  	v9 =	vld [tilespmem:s19+$0xE0]  }
0x89: {  	v2 =	vld [tilespmem:s19+$0xF0]  }
0x8a: {  	[tilespmem:v3+s13+$0x0] =	vst.idx.add.s32.msk $0xffff, v1  }
0x8b: {  	[tilespmem:v4+s13+$0x0] =	vst.idx.add.s32.msk $0xffff, v1  }
0x8c: {  	[tilespmem:v5+s13+$0x0] =	vst.idx.add.s32.msk $0xffff, v1  }
0x8d: {  	[tilespmem:v6+s13+$0x0] =	vst.idx.add.s32.msk $0xffff, v1  }
0x8e: {  	[tilespmem:v7+s14+$0x0] =	vst.idx.add.s32.msk $0xffff, v1  }
0x8f: {  	[tilespmem:v8+s14+$0x0] =	vst.idx.add.s32.msk $0xffff, v1  }
0x90: {  	s21 =	simm.s32 $0x0;
	[tilespmem:v9+s14+$0x0] =	vst.idx.add.s32.msk $0xffff, v1  }
.LBB2_4:
0x91: {  	s21 =	sadd.s32 $0x4, s21;
	[tilespmem:v2+s14+$0x0] =	vst.idx.add.s32.msk $0xffff, v1;
	s19 =	sadd.s32 $0x200, s19;
	s20 =	simm.s32 $0x15F0  }
0x92: {  	v2 =	vld [tilespmem:s19+$0xFFFFFF00];
	p1 =	slt.u32 s21, $0x24  }
0x93: {  	v3 =	vld [tilespmem:s19+$0xFFFFFF10]  }
0x94: {  	v4 =	vld [tilespmem:s19+$0xFFFFFF20]  }
0x95: {  	v5 =	vld [tilespmem:s19+$0xFFFFFF30]  }
0x96: {  	v6 =	vld [tilespmem:s19+$0xFFFFFF80]  }
0x97: {  	v7 =	vld [tilespmem:s19+$0xFFFFFF90]  }
0x98: {  	v8 =	vld [tilespmem:s19+$0xFFFFFFA0]  }
0x99: {  	v9 =	vld [tilespmem:s19+$0xFFFFFFB0]  }
0x9a: {  	[tilespmem:v2+s13+$0x0] =	vst.idx.add.s32.msk $0xffff, v1  }
0x9b: {  	[tilespmem:v3+s13+$0x0] =	vst.idx.add.s32.msk $0xffff, v1  }
0x9c: {  	[tilespmem:v4+s13+$0x0] =	vst.idx.add.s32.msk $0xffff, v1  }
0x9d: {  	[tilespmem:v5+s13+$0x0] =	vst.idx.add.s32.msk $0xffff, v1  }
0x9e: {  	[tilespmem:v6+s14+$0x0] =	vst.idx.add.s32.msk $0xffff, v1  }
0x9f: {  	[tilespmem:v7+s14+$0x0] =	vst.idx.add.s32.msk $0xffff, v1  }
0xa0: {  	[tilespmem:v8+s14+$0x0] =	vst.idx.add.s32.msk $0xffff, v1  }
0xa1: {  	[tilespmem:v9+s14+$0x0] =	vst.idx.add.s32.msk $0xffff, v1  }
0xa2: {  	v2 =	vld [tilespmem:s19+$0xFFFFFF40]  }
0xa3: {  	v3 =	vld [tilespmem:s19+$0xFFFFFF50]  }
0xa4: {  	v4 =	vld [tilespmem:s19+$0xFFFFFF60]  }
0xa5: {  	v5 =	vld [tilespmem:s19+$0xFFFFFF70]  }
0xa6: {  	v6 =	vld [tilespmem:s19+$0xFFFFFFC0]  }
0xa7: {  	v7 =	vld [tilespmem:s19+$0xFFFFFFD0]  }
0xa8: {  	v8 =	vld [tilespmem:s19+$0xFFFFFFE0]  }
0xa9: {  	v9 =	vld [tilespmem:s19+$0xFFFFFFF0]  }
0xaa: {  	[tilespmem:v2+s13+$0x0] =	vst.idx.add.s32.msk $0xffff, v1  }
0xab: {  	[tilespmem:v3+s13+$0x0] =	vst.idx.add.s32.msk $0xffff, v1  }
0xac: {  	[tilespmem:v4+s13+$0x0] =	vst.idx.add.s32.msk $0xffff, v1  }
0xad: {  	[tilespmem:v5+s13+$0x0] =	vst.idx.add.s32.msk $0xffff, v1  }
0xae: {  	[tilespmem:v6+s14+$0x0] =	vst.idx.add.s32.msk $0xffff, v1  }
0xaf: {  	[tilespmem:v7+s14+$0x0] =	vst.idx.add.s32.msk $0xffff, v1  }
0xb0: {  	[tilespmem:v8+s14+$0x0] =	vst.idx.add.s32.msk $0xffff, v1  }
0xb1: {  	[tilespmem:v9+s14+$0x0] =	vst.idx.add.s32.msk $0xffff, v1  }
0xb2: {  	v2 =	vld [tilespmem:s19+$0x0]  }
0xb3: {  	v3 =	vld [tilespmem:s19+$0x10]  }
0xb4: {  	v4 =	vld [tilespmem:s19+$0x20]  }
0xb5: {  	v5 =	vld [tilespmem:s19+$0x30]  }
0xb6: {  	v6 =	vld [tilespmem:s19+$0x80]  }
0xb7: {  	v7 =	vld [tilespmem:s19+$0x90]  }
0xb8: {  	v8 =	vld [tilespmem:s19+$0xA0]  }
0xb9: {  	v9 =	vld [tilespmem:s19+$0xB0]  }
0xba: {  	[tilespmem:v2+s13+$0x0] =	vst.idx.add.s32.msk $0xffff, v1  }
0xbb: {  	[tilespmem:v3+s13+$0x0] =	vst.idx.add.s32.msk $0xffff, v1  }
0xbc: {  	[tilespmem:v4+s13+$0x0] =	vst.idx.add.s32.msk $0xffff, v1  }
0xbd: {  	[tilespmem:v5+s13+$0x0] =	vst.idx.add.s32.msk $0xffff, v1  }
0xbe: {  	[tilespmem:v6+s14+$0x0] =	vst.idx.add.s32.msk $0xffff, v1  }
0xbf: {  	[tilespmem:v7+s14+$0x0] =	vst.idx.add.s32.msk $0xffff, v1  }
0xc0: {  	[tilespmem:v8+s14+$0x0] =	vst.idx.add.s32.msk $0xffff, v1  }
0xc1: {  	[tilespmem:v9+s14+$0x0] =	vst.idx.add.s32.msk $0xffff, v1  }
0xc2: {  	v3 =	vld [tilespmem:s19+$0x40]  }
0xc3: {  	v4 =	vld [tilespmem:s19+$0x50]  }
0xc4: {  	v5 =	vld [tilespmem:s19+$0x60]  }
0xc5: {  	v6 =	vld [tilespmem:s19+$0x70]  }
0xc6: {  	v7 =	vld [tilespmem:s19+$0xC0]  }
0xc7: {  	v8 =	vld [tilespmem:s19+$0xD0]  }
0xc8: {  	v9 =	vld [tilespmem:s19+$0xE0]  }
0xc9: {  	v2 =	vld [tilespmem:s19+$0xF0]  }
0xca: {  	[tilespmem:v3+s13+$0x0] =	vst.idx.add.s32.msk $0xffff, v1  }
0xcb: {  	[tilespmem:v4+s13+$0x0] =	vst.idx.add.s32.msk $0xffff, v1  }
.Ltmp3:
0xcc: {  	[tilespmem:v5+s13+$0x0] =	vst.idx.add.s32.msk $0xffff, v1;
	(pc) =	sbr.rel @p1 .LBB2_4-.Ltmp3, $4  }
0xcd: {  	[tilespmem:v6+s13+$0x0] =	vst.idx.add.s32.msk $0xffff, v1  }
0xce: {  	[tilespmem:v7+s14+$0x0] =	vst.idx.add.s32.msk $0xffff, v1  }
0xcf: {  	[tilespmem:v8+s14+$0x0] =	vst.idx.add.s32.msk $0xffff, v1  }
0xd0: {  	[tilespmem:v9+s14+$0x0] =	vst.idx.add.s32.msk $0xffff, v1  }
0xd1: {  	_ =	sdelay $0x3  }
0xd2: {  	[tilespmem:v2+s14+$0x0] =	vst.idx.add.s32.msk $0xffff, v1  }
0xd3: {  	v2 =	vld [tilespmem:s20+$0xFFFFFE10]  }
0xd4: {  	v3 =	vld [tilespmem:s20+$0xFFFFFE20]  }
0xd5: {  	v4 =	vld [tilespmem:s20+$0xFFFFFE30]  }
0xd6: {  	v5 =	vld [tilespmem:s20+$0xFFFFFE40]  }
0xd7: {  	v6 =	vld [tilespmem:s20+$0xFFFFFE90]  }
0xd8: {  	v7 =	vld [tilespmem:s20+$0xFFFFFEA0]  }
0xd9: {  	v8 =	vld [tilespmem:s20+$0xFFFFFEB0]  }
0xda: {  	v9 =	vld [tilespmem:s20+$0xFFFFFEC0]  }
0xdb: {  	[tilespmem:v2+s13+$0x0] =	vst.idx.add.s32.msk $0xffff, v1  }
0xdc: {  	[tilespmem:v3+s13+$0x0] =	vst.idx.add.s32.msk $0xffff, v1  }
0xdd: {  	[tilespmem:v4+s13+$0x0] =	vst.idx.add.s32.msk $0xffff, v1  }
0xde: {  	[tilespmem:v5+s13+$0x0] =	vst.idx.add.s32.msk $0xffff, v1  }
0xdf: {  	[tilespmem:v6+s14+$0x0] =	vst.idx.add.s32.msk $0xffff, v1  }
0xe0: {  	[tilespmem:v7+s14+$0x0] =	vst.idx.add.s32.msk $0xffff, v1  }
0xe1: {  	[tilespmem:v8+s14+$0x0] =	vst.idx.add.s32.msk $0xffff, v1  }
0xe2: {  	[tilespmem:v9+s14+$0x0] =	vst.idx.add.s32.msk $0xffff, v1  }
0xe3: {  	v2 =	vld [tilespmem:s20+$0xFFFFFE50]  }
0xe4: {  	v3 =	vld [tilespmem:s20+$0xFFFFFE60]  }
0xe5: {  	v4 =	vld [tilespmem:s20+$0xFFFFFE70]  }
0xe6: {  	v5 =	vld [tilespmem:s20+$0xFFFFFE80]  }
0xe7: {  	v6 =	vld [tilespmem:s20+$0xFFFFFED0]  }
0xe8: {  	v7 =	vld [tilespmem:s20+$0xFFFFFEE0]  }
0xe9: {  	v8 =	vld [tilespmem:s20+$0xFFFFFEF0]  }
0xea: {  	v9 =	vld [tilespmem:s20+$0xFFFFFF00]  }
0xeb: {  	[tilespmem:v2+s13+$0x0] =	vst.idx.add.s32.msk $0xffff, v1  }
0xec: {  	[tilespmem:v3+s13+$0x0] =	vst.idx.add.s32.msk $0xffff, v1  }
0xed: {  	[tilespmem:v4+s13+$0x0] =	vst.idx.add.s32.msk $0xffff, v1  }
0xee: {  	[tilespmem:v5+s13+$0x0] =	vst.idx.add.s32.msk $0xffff, v1  }
0xef: {  	[tilespmem:v6+s14+$0x0] =	vst.idx.add.s32.msk $0xffff, v1  }
0xf0: {  	[tilespmem:v7+s14+$0x0] =	vst.idx.add.s32.msk $0xffff, v1  }
0xf1: {  	[tilespmem:v8+s14+$0x0] =	vst.idx.add.s32.msk $0xffff, v1  }
0xf2: {  	[tilespmem:v9+s14+$0x0] =	vst.idx.add.s32.msk $0xffff, v1  }
0xf3: {  	v2 =	vld [tilespmem:s20+$0xFFFFFF10]  }
0xf4: {  	v3 =	vld [tilespmem:s20+$0xFFFFFF20]  }
0xf5: {  	v4 =	vld [tilespmem:s20+$0xFFFFFF30]  }
0xf6: {  	v5 =	vld [tilespmem:s20+$0xFFFFFF40]  }
0xf7: {  	v6 =	vld [tilespmem:s20+$0xFFFFFF90]  }
0xf8: {  	v7 =	vld [tilespmem:s20+$0xFFFFFFA0]  }
0xf9: {  	v8 =	vld [tilespmem:s20+$0xFFFFFFB0]  }
0xfa: {  	v9 =	vld [tilespmem:s20+$0xFFFFFFC0]  }
0xfb: {  	[tilespmem:v2+s13+$0x0] =	vst.idx.add.s32.msk $0xffff, v1  }
0xfc: {  	[tilespmem:v3+s13+$0x0] =	vst.idx.add.s32.msk $0xffff, v1  }
0xfd: {  	[tilespmem:v4+s13+$0x0] =	vst.idx.add.s32.msk $0xffff, v1  }
0xfe: {  	[tilespmem:v5+s13+$0x0] =	vst.idx.add.s32.msk $0xffff, v1  }
0xff: {  	[tilespmem:v6+s14+$0x0] =	vst.idx.add.s32.msk $0xffff, v1  }
0x100: {  	[tilespmem:v7+s14+$0x0] =	vst.idx.add.s32.msk $0xffff, v1  }
0x101: {  	[tilespmem:v8+s14+$0x0] =	vst.idx.add.s32.msk $0xffff, v1  }
0x102: {  	[tilespmem:v9+s14+$0x0] =	vst.idx.add.s32.msk $0xffff, v1  }
0x103: {  	v3 =	vld [tilespmem:s20+$0xFFFFFF50]  }
0x104: {  	v4 =	vld [tilespmem:s20+$0xFFFFFF60]  }
0x105: {  	v5 =	vld [tilespmem:s20+$0xFFFFFF70]  }
0x106: {  	v6 =	vld [tilespmem:s20+$0xFFFFFF80]  }
0x107: {  	v7 =	vld [tilespmem:s20+$0xFFFFFFD0]  }
0x108: {  	v8 =	vld [tilespmem:s20+$0xFFFFFFE0]  }
0x109: {  	v9 =	vld [tilespmem:s20+$0xFFFFFFF0]  }
0x10a: {  	v2 =	vld [tilespmem:s20+$0x0]  }
0x10b: {  	[tilespmem:v3+s13+$0x0] =	vst.idx.add.s32.msk $0xffff, v1  }
0x10c: {  	[tilespmem:v4+s13+$0x0] =	vst.idx.add.s32.msk $0xffff, v1  }
0x10d: {  	[tilespmem:v5+s13+$0x0] =	vst.idx.add.s32.msk $0xffff, v1  }
0x10e: {  	[tilespmem:v6+s13+$0x0] =	vst.idx.add.s32.msk $0xffff, v1  }
0x10f: {  	[tilespmem:v7+s14+$0x0] =	vst.idx.add.s32.msk $0xffff, v1  }
0x110: {  	[tilespmem:v8+s14+$0x0] =	vst.idx.add.s32.msk $0xffff, v1  }
0x111: {  	s21 =	simm.s32 $0x0;
	s19 =	simm.s32 $0x29F0;
	[tilespmem:v9+s14+$0x0] =	vst.idx.add.s32.msk $0xffff, v1  }
.LBB2_6:
0x112: {  	s21 =	sadd.s32 $0x4, s21;
	[tilespmem:v2+s14+$0x0] =	vst.idx.add.s32.msk $0xffff, v1;
	s20 =	sadd.s32 $0x200, s20  }
0x113: {  	v2 =	vld [tilespmem:s20+$0xFFFFFE10];
	p1 =	slt.u32 s21, $0x24  }
0x114: {  	v3 =	vld [tilespmem:s20+$0xFFFFFE20]  }
0x115: {  	v4 =	vld [tilespmem:s20+$0xFFFFFE30]  }
0x116: {  	v5 =	vld [tilespmem:s20+$0xFFFFFE40]  }
0x117: {  	v6 =	vld [tilespmem:s20+$0xFFFFFE90]  }
0x118: {  	v7 =	vld [tilespmem:s20+$0xFFFFFEA0]  }
0x119: {  	v8 =	vld [tilespmem:s20+$0xFFFFFEB0]  }
0x11a: {  	v9 =	vld [tilespmem:s20+$0xFFFFFEC0]  }
0x11b: {  	[tilespmem:v2+s13+$0x0] =	vst.idx.add.s32.msk $0xffff, v1  }
0x11c: {  	[tilespmem:v3+s13+$0x0] =	vst.idx.add.s32.msk $0xffff, v1  }
0x11d: {  	[tilespmem:v4+s13+$0x0] =	vst.idx.add.s32.msk $0xffff, v1  }
0x11e: {  	[tilespmem:v5+s13+$0x0] =	vst.idx.add.s32.msk $0xffff, v1  }
0x11f: {  	[tilespmem:v6+s14+$0x0] =	vst.idx.add.s32.msk $0xffff, v1  }
0x120: {  	[tilespmem:v7+s14+$0x0] =	vst.idx.add.s32.msk $0xffff, v1  }
0x121: {  	[tilespmem:v8+s14+$0x0] =	vst.idx.add.s32.msk $0xffff, v1  }
0x122: {  	[tilespmem:v9+s14+$0x0] =	vst.idx.add.s32.msk $0xffff, v1  }
0x123: {  	v2 =	vld [tilespmem:s20+$0xFFFFFE50]  }
0x124: {  	v3 =	vld [tilespmem:s20+$0xFFFFFE60]  }
0x125: {  	v4 =	vld [tilespmem:s20+$0xFFFFFE70]  }
0x126: {  	v5 =	vld [tilespmem:s20+$0xFFFFFE80]  }
0x127: {  	v6 =	vld [tilespmem:s20+$0xFFFFFED0]  }
0x128: {  	v7 =	vld [tilespmem:s20+$0xFFFFFEE0]  }
0x129: {  	v8 =	vld [tilespmem:s20+$0xFFFFFEF0]  }
0x12a: {  	v9 =	vld [tilespmem:s20+$0xFFFFFF00]  }
0x12b: {  	[tilespmem:v2+s13+$0x0] =	vst.idx.add.s32.msk $0xffff, v1  }
0x12c: {  	[tilespmem:v3+s13+$0x0] =	vst.idx.add.s32.msk $0xffff, v1  }
0x12d: {  	[tilespmem:v4+s13+$0x0] =	vst.idx.add.s32.msk $0xffff, v1  }
0x12e: {  	[tilespmem:v5+s13+$0x0] =	vst.idx.add.s32.msk $0xffff, v1  }
0x12f: {  	[tilespmem:v6+s14+$0x0] =	vst.idx.add.s32.msk $0xffff, v1  }
0x130: {  	[tilespmem:v7+s14+$0x0] =	vst.idx.add.s32.msk $0xffff, v1  }
0x131: {  	[tilespmem:v8+s14+$0x0] =	vst.idx.add.s32.msk $0xffff, v1  }
0x132: {  	[tilespmem:v9+s14+$0x0] =	vst.idx.add.s32.msk $0xffff, v1  }
0x133: {  	v2 =	vld [tilespmem:s20+$0xFFFFFF10]  }
0x134: {  	v3 =	vld [tilespmem:s20+$0xFFFFFF20]  }
0x135: {  	v4 =	vld [tilespmem:s20+$0xFFFFFF30]  }
0x136: {  	v5 =	vld [tilespmem:s20+$0xFFFFFF40]  }
0x137: {  	v6 =	vld [tilespmem:s20+$0xFFFFFF90]  }
0x138: {  	v7 =	vld [tilespmem:s20+$0xFFFFFFA0]  }
0x139: {  	v8 =	vld [tilespmem:s20+$0xFFFFFFB0]  }
0x13a: {  	v9 =	vld [tilespmem:s20+$0xFFFFFFC0]  }
0x13b: {  	[tilespmem:v2+s13+$0x0] =	vst.idx.add.s32.msk $0xffff, v1  }
0x13c: {  	[tilespmem:v3+s13+$0x0] =	vst.idx.add.s32.msk $0xffff, v1  }
0x13d: {  	[tilespmem:v4+s13+$0x0] =	vst.idx.add.s32.msk $0xffff, v1  }
0x13e: {  	[tilespmem:v5+s13+$0x0] =	vst.idx.add.s32.msk $0xffff, v1  }
0x13f: {  	[tilespmem:v6+s14+$0x0] =	vst.idx.add.s32.msk $0xffff, v1  }
0x140: {  	[tilespmem:v7+s14+$0x0] =	vst.idx.add.s32.msk $0xffff, v1  }
0x141: {  	[tilespmem:v8+s14+$0x0] =	vst.idx.add.s32.msk $0xffff, v1  }
0x142: {  	[tilespmem:v9+s14+$0x0] =	vst.idx.add.s32.msk $0xffff, v1  }
0x143: {  	v3 =	vld [tilespmem:s20+$0xFFFFFF50]  }
0x144: {  	v4 =	vld [tilespmem:s20+$0xFFFFFF60]  }
0x145: {  	v5 =	vld [tilespmem:s20+$0xFFFFFF70]  }
0x146: {  	v6 =	vld [tilespmem:s20+$0xFFFFFF80]  }
0x147: {  	v7 =	vld [tilespmem:s20+$0xFFFFFFD0]  }
0x148: {  	v8 =	vld [tilespmem:s20+$0xFFFFFFE0]  }
0x149: {  	v9 =	vld [tilespmem:s20+$0xFFFFFFF0]  }
0x14a: {  	v2 =	vld [tilespmem:s20+$0x0]  }
0x14b: {  	[tilespmem:v3+s13+$0x0] =	vst.idx.add.s32.msk $0xffff, v1  }
0x14c: {  	[tilespmem:v4+s13+$0x0] =	vst.idx.add.s32.msk $0xffff, v1  }
.Ltmp4:
0x14d: {  	[tilespmem:v5+s13+$0x0] =	vst.idx.add.s32.msk $0xffff, v1;
	(pc) =	sbr.rel @p1 .LBB2_6-.Ltmp4, $4  }
0x14e: {  	[tilespmem:v6+s13+$0x0] =	vst.idx.add.s32.msk $0xffff, v1  }
0x14f: {  	[tilespmem:v7+s14+$0x0] =	vst.idx.add.s32.msk $0xffff, v1  }
0x150: {  	[tilespmem:v8+s14+$0x0] =	vst.idx.add.s32.msk $0xffff, v1  }
0x151: {  	[tilespmem:v9+s14+$0x0] =	vst.idx.add.s32.msk $0xffff, v1  }
0x152: {  	_ =	sdelay $0x3  }
0x153: {  	[tilespmem:v2+s14+$0x0] =	vst.idx.add.s32.msk $0xffff, v1  }
0x154: {  	v2 =	vld [tilespmem:s19+$0xFFFFFE10]  }
0x155: {  	v3 =	vld [tilespmem:s19+$0xFFFFFE20]  }
0x156: {  	v4 =	vld [tilespmem:s19+$0xFFFFFE30]  }
0x157: {  	v5 =	vld [tilespmem:s19+$0xFFFFFE40]  }
0x158: {  	v6 =	vld [tilespmem:s19+$0xFFFFFE90]  }
0x159: {  	v7 =	vld [tilespmem:s19+$0xFFFFFEA0]  }
0x15a: {  	v8 =	vld [tilespmem:s19+$0xFFFFFEB0]  }
0x15b: {  	v9 =	vld [tilespmem:s19+$0xFFFFFEC0]  }
0x15c: {  	[tilespmem:v2+s13+$0x0] =	vst.idx.add.s32.msk $0xffff, v1  }
0x15d: {  	[tilespmem:v3+s13+$0x0] =	vst.idx.add.s32.msk $0xffff, v1  }
0x15e: {  	[tilespmem:v4+s13+$0x0] =	vst.idx.add.s32.msk $0xffff, v1  }
0x15f: {  	[tilespmem:v5+s13+$0x0] =	vst.idx.add.s32.msk $0xffff, v1  }
0x160: {  	[tilespmem:v6+s14+$0x0] =	vst.idx.add.s32.msk $0xffff, v1  }
0x161: {  	[tilespmem:v7+s14+$0x0] =	vst.idx.add.s32.msk $0xffff, v1  }
0x162: {  	[tilespmem:v8+s14+$0x0] =	vst.idx.add.s32.msk $0xffff, v1  }
0x163: {  	[tilespmem:v9+s14+$0x0] =	vst.idx.add.s32.msk $0xffff, v1  }
0x164: {  	v2 =	vld [tilespmem:s19+$0xFFFFFE50]  }
0x165: {  	v3 =	vld [tilespmem:s19+$0xFFFFFE60]  }
0x166: {  	v4 =	vld [tilespmem:s19+$0xFFFFFE70]  }
0x167: {  	v5 =	vld [tilespmem:s19+$0xFFFFFE80]  }
0x168: {  	v6 =	vld [tilespmem:s19+$0xFFFFFED0]  }
0x169: {  	v7 =	vld [tilespmem:s19+$0xFFFFFEE0]  }
0x16a: {  	v8 =	vld [tilespmem:s19+$0xFFFFFEF0]  }
0x16b: {  	v9 =	vld [tilespmem:s19+$0xFFFFFF00]  }
0x16c: {  	[tilespmem:v2+s13+$0x0] =	vst.idx.add.s32.msk $0xffff, v1  }
0x16d: {  	[tilespmem:v3+s13+$0x0] =	vst.idx.add.s32.msk $0xffff, v1  }
0x16e: {  	[tilespmem:v4+s13+$0x0] =	vst.idx.add.s32.msk $0xffff, v1  }
0x16f: {  	[tilespmem:v5+s13+$0x0] =	vst.idx.add.s32.msk $0xffff, v1  }
0x170: {  	[tilespmem:v6+s14+$0x0] =	vst.idx.add.s32.msk $0xffff, v1  }
0x171: {  	[tilespmem:v7+s14+$0x0] =	vst.idx.add.s32.msk $0xffff, v1  }
0x172: {  	[tilespmem:v8+s14+$0x0] =	vst.idx.add.s32.msk $0xffff, v1  }
0x173: {  	[tilespmem:v9+s14+$0x0] =	vst.idx.add.s32.msk $0xffff, v1  }
0x174: {  	v2 =	vld [tilespmem:s19+$0xFFFFFF10]  }
0x175: {  	v3 =	vld [tilespmem:s19+$0xFFFFFF20]  }
0x176: {  	v4 =	vld [tilespmem:s19+$0xFFFFFF30]  }
0x177: {  	v5 =	vld [tilespmem:s19+$0xFFFFFF40]  }
0x178: {  	v6 =	vld [tilespmem:s19+$0xFFFFFF90]  }
0x179: {  	v7 =	vld [tilespmem:s19+$0xFFFFFFA0]  }
0x17a: {  	v8 =	vld [tilespmem:s19+$0xFFFFFFB0]  }
0x17b: {  	v9 =	vld [tilespmem:s19+$0xFFFFFFC0]  }
0x17c: {  	[tilespmem:v2+s13+$0x0] =	vst.idx.add.s32.msk $0xffff, v1  }
0x17d: {  	[tilespmem:v3+s13+$0x0] =	vst.idx.add.s32.msk $0xffff, v1  }
0x17e: {  	[tilespmem:v4+s13+$0x0] =	vst.idx.add.s32.msk $0xffff, v1  }
0x17f: {  	[tilespmem:v5+s13+$0x0] =	vst.idx.add.s32.msk $0xffff, v1  }
0x180: {  	[tilespmem:v6+s14+$0x0] =	vst.idx.add.s32.msk $0xffff, v1  }
0x181: {  	[tilespmem:v7+s14+$0x0] =	vst.idx.add.s32.msk $0xffff, v1  }
0x182: {  	[tilespmem:v8+s14+$0x0] =	vst.idx.add.s32.msk $0xffff, v1  }
0x183: {  	[tilespmem:v9+s14+$0x0] =	vst.idx.add.s32.msk $0xffff, v1  }
0x184: {  	v3 =	vld [tilespmem:s19+$0xFFFFFF50]  }
0x185: {  	v4 =	vld [tilespmem:s19+$0xFFFFFF60]  }
0x186: {  	v5 =	vld [tilespmem:s19+$0xFFFFFF70]  }
0x187: {  	v6 =	vld [tilespmem:s19+$0xFFFFFF80]  }
0x188: {  	v7 =	vld [tilespmem:s19+$0xFFFFFFD0]  }
0x189: {  	v8 =	vld [tilespmem:s19+$0xFFFFFFE0]  }
0x18a: {  	v9 =	vld [tilespmem:s19+$0xFFFFFFF0]  }
0x18b: {  	v2 =	vld [tilespmem:s19+$0x0]  }
0x18c: {  	[tilespmem:v3+s13+$0x0] =	vst.idx.add.s32.msk $0xffff, v1  }
0x18d: {  	[tilespmem:v4+s13+$0x0] =	vst.idx.add.s32.msk $0xffff, v1  }
0x18e: {  	[tilespmem:v5+s13+$0x0] =	vst.idx.add.s32.msk $0xffff, v1  }
0x18f: {  	[tilespmem:v6+s13+$0x0] =	vst.idx.add.s32.msk $0xffff, v1  }
0x190: {  	[tilespmem:v7+s14+$0x0] =	vst.idx.add.s32.msk $0xffff, v1  }
0x191: {  	[tilespmem:v8+s14+$0x0] =	vst.idx.add.s32.msk $0xffff, v1  }
0x192: {  	s20 =	simm.s32 $0x0;
	[tilespmem:v9+s14+$0x0] =	vst.idx.add.s32.msk $0xffff, v1  }
.LBB2_8:
0x193: {  	s20 =	sadd.s32 $0x4, s20;
	[tilespmem:v2+s14+$0x0] =	vst.idx.add.s32.msk $0xffff, v1;
	s19 =	sadd.s32 $0x200, s19  }
0x194: {  	v2 =	vld [tilespmem:s19+$0xFFFFFE10];
	p1 =	slt.u32 s20, $0x24  }
0x195: {  	v3 =	vld [tilespmem:s19+$0xFFFFFE20]  }
0x196: {  	v4 =	vld [tilespmem:s19+$0xFFFFFE30]  }
0x197: {  	v5 =	vld [tilespmem:s19+$0xFFFFFE40]  }
0x198: {  	v6 =	vld [tilespmem:s19+$0xFFFFFE90]  }
0x199: {  	v7 =	vld [tilespmem:s19+$0xFFFFFEA0]  }
0x19a: {  	v8 =	vld [tilespmem:s19+$0xFFFFFEB0]  }
0x19b: {  	v9 =	vld [tilespmem:s19+$0xFFFFFEC0]  }
0x19c: {  	[tilespmem:v2+s13+$0x0] =	vst.idx.add.s32.msk $0xffff, v1  }
0x19d: {  	[tilespmem:v3+s13+$0x0] =	vst.idx.add.s32.msk $0xffff, v1  }
0x19e: {  	[tilespmem:v4+s13+$0x0] =	vst.idx.add.s32.msk $0xffff, v1  }
0x19f: {  	[tilespmem:v5+s13+$0x0] =	vst.idx.add.s32.msk $0xffff, v1  }
0x1a0: {  	[tilespmem:v6+s14+$0x0] =	vst.idx.add.s32.msk $0xffff, v1  }
0x1a1: {  	[tilespmem:v7+s14+$0x0] =	vst.idx.add.s32.msk $0xffff, v1  }
0x1a2: {  	[tilespmem:v8+s14+$0x0] =	vst.idx.add.s32.msk $0xffff, v1  }
0x1a3: {  	[tilespmem:v9+s14+$0x0] =	vst.idx.add.s32.msk $0xffff, v1  }
0x1a4: {  	v2 =	vld [tilespmem:s19+$0xFFFFFE50]  }
0x1a5: {  	v3 =	vld [tilespmem:s19+$0xFFFFFE60]  }
0x1a6: {  	v4 =	vld [tilespmem:s19+$0xFFFFFE70]  }
0x1a7: {  	v5 =	vld [tilespmem:s19+$0xFFFFFE80]  }
0x1a8: {  	v6 =	vld [tilespmem:s19+$0xFFFFFED0]  }
0x1a9: {  	v7 =	vld [tilespmem:s19+$0xFFFFFEE0]  }
0x1aa: {  	v8 =	vld [tilespmem:s19+$0xFFFFFEF0]  }
0x1ab: {  	v9 =	vld [tilespmem:s19+$0xFFFFFF00]  }
0x1ac: {  	[tilespmem:v2+s13+$0x0] =	vst.idx.add.s32.msk $0xffff, v1  }
0x1ad: {  	[tilespmem:v3+s13+$0x0] =	vst.idx.add.s32.msk $0xffff, v1  }
0x1ae: {  	[tilespmem:v4+s13+$0x0] =	vst.idx.add.s32.msk $0xffff, v1  }
0x1af: {  	[tilespmem:v5+s13+$0x0] =	vst.idx.add.s32.msk $0xffff, v1  }
0x1b0: {  	[tilespmem:v6+s14+$0x0] =	vst.idx.add.s32.msk $0xffff, v1  }
0x1b1: {  	[tilespmem:v7+s14+$0x0] =	vst.idx.add.s32.msk $0xffff, v1  }
0x1b2: {  	[tilespmem:v8+s14+$0x0] =	vst.idx.add.s32.msk $0xffff, v1  }
0x1b3: {  	[tilespmem:v9+s14+$0x0] =	vst.idx.add.s32.msk $0xffff, v1  }
0x1b4: {  	v2 =	vld [tilespmem:s19+$0xFFFFFF10]  }
0x1b5: {  	v3 =	vld [tilespmem:s19+$0xFFFFFF20]  }
0x1b6: {  	v4 =	vld [tilespmem:s19+$0xFFFFFF30]  }
0x1b7: {  	v5 =	vld [tilespmem:s19+$0xFFFFFF40]  }
0x1b8: {  	v6 =	vld [tilespmem:s19+$0xFFFFFF90]  }
0x1b9: {  	v7 =	vld [tilespmem:s19+$0xFFFFFFA0]  }
0x1ba: {  	v8 =	vld [tilespmem:s19+$0xFFFFFFB0]  }
0x1bb: {  	v9 =	vld [tilespmem:s19+$0xFFFFFFC0]  }
0x1bc: {  	[tilespmem:v2+s13+$0x0] =	vst.idx.add.s32.msk $0xffff, v1  }
0x1bd: {  	[tilespmem:v3+s13+$0x0] =	vst.idx.add.s32.msk $0xffff, v1  }
0x1be: {  	[tilespmem:v4+s13+$0x0] =	vst.idx.add.s32.msk $0xffff, v1  }
0x1bf: {  	[tilespmem:v5+s13+$0x0] =	vst.idx.add.s32.msk $0xffff, v1  }
0x1c0: {  	[tilespmem:v6+s14+$0x0] =	vst.idx.add.s32.msk $0xffff, v1  }
0x1c1: {  	[tilespmem:v7+s14+$0x0] =	vst.idx.add.s32.msk $0xffff, v1  }
0x1c2: {  	[tilespmem:v8+s14+$0x0] =	vst.idx.add.s32.msk $0xffff, v1  }
0x1c3: {  	[tilespmem:v9+s14+$0x0] =	vst.idx.add.s32.msk $0xffff, v1  }
0x1c4: {  	v3 =	vld [tilespmem:s19+$0xFFFFFF50]  }
0x1c5: {  	v4 =	vld [tilespmem:s19+$0xFFFFFF60]  }
0x1c6: {  	v5 =	vld [tilespmem:s19+$0xFFFFFF70]  }
0x1c7: {  	v6 =	vld [tilespmem:s19+$0xFFFFFF80]  }
0x1c8: {  	v7 =	vld [tilespmem:s19+$0xFFFFFFD0]  }
0x1c9: {  	v8 =	vld [tilespmem:s19+$0xFFFFFFE0]  }
0x1ca: {  	v9 =	vld [tilespmem:s19+$0xFFFFFFF0]  }
0x1cb: {  	v2 =	vld [tilespmem:s19+$0x0]  }
0x1cc: {  	[tilespmem:v3+s13+$0x0] =	vst.idx.add.s32.msk $0xffff, v1  }
0x1cd: {  	[tilespmem:v4+s13+$0x0] =	vst.idx.add.s32.msk $0xffff, v1  }
.Ltmp5:
0x1ce: {  	[tilespmem:v5+s13+$0x0] =	vst.idx.add.s32.msk $0xffff, v1;
	(pc) =	sbr.rel @p1 .LBB2_8-.Ltmp5, $4  }
0x1cf: {  	[tilespmem:v6+s13+$0x0] =	vst.idx.add.s32.msk $0xffff, v1  }
0x1d0: {  	[tilespmem:v7+s14+$0x0] =	vst.idx.add.s32.msk $0xffff, v1  }
0x1d1: {  	[tilespmem:v8+s14+$0x0] =	vst.idx.add.s32.msk $0xffff, v1  }
0x1d2: {  	[tilespmem:v9+s14+$0x0] =	vst.idx.add.s32.msk $0xffff, v1  }
.Ltmp6:
0x1d3: {  	_ = 	snop;
	(pc) =	sbr.rel @p0 .LBB2_13-.Ltmp6, $2  }
0x1d4: {  	_ =	sdelay $0x2  }
0x1d5: {  	[tilespmem:v2+s14+$0x0] =	vst.idx.add.s32.msk $0xffff, v1  }
0x1d6: {  	s19 =	simm.s32 $0x3DF0  }
0x1d7: {  	v2 =	vld [tilespmem:s19+$0xFFFFFE10]  }
0x1d8: {  	v3 =	vld [tilespmem:s19+$0xFFFFFE20]  }
0x1d9: {  	v4 =	vld [tilespmem:s19+$0xFFFFFE30]  }
0x1da: {  	v5 =	vld [tilespmem:s19+$0xFFFFFE40]  }
0x1db: {  	v6 =	vld [tilespmem:s19+$0xFFFFFE90]  }
0x1dc: {  	v7 =	vld [tilespmem:s19+$0xFFFFFEA0]  }
0x1dd: {  	v8 =	vld [tilespmem:s19+$0xFFFFFEB0]  }
0x1de: {  	v9 =	vld [tilespmem:s19+$0xFFFFFEC0]  }
0x1df: {  	[tilespmem:v2+s13+$0x0] =	vst.idx.add.s32.msk $0xffff, v1  }
0x1e0: {  	[tilespmem:v3+s13+$0x0] =	vst.idx.add.s32.msk $0xffff, v1  }
0x1e1: {  	[tilespmem:v4+s13+$0x0] =	vst.idx.add.s32.msk $0xffff, v1  }
0x1e2: {  	[tilespmem:v5+s13+$0x0] =	vst.idx.add.s32.msk $0xffff, v1  }
0x1e3: {  	[tilespmem:v6+s14+$0x0] =	vst.idx.add.s32.msk $0xffff, v1  }
0x1e4: {  	[tilespmem:v7+s14+$0x0] =	vst.idx.add.s32.msk $0xffff, v1  }
0x1e5: {  	[tilespmem:v8+s14+$0x0] =	vst.idx.add.s32.msk $0xffff, v1  }
0x1e6: {  	[tilespmem:v9+s14+$0x0] =	vst.idx.add.s32.msk $0xffff, v1  }
0x1e7: {  	v2 =	vld [tilespmem:s19+$0xFFFFFE50]  }
0x1e8: {  	v3 =	vld [tilespmem:s19+$0xFFFFFE60]  }
0x1e9: {  	v4 =	vld [tilespmem:s19+$0xFFFFFE70]  }
0x1ea: {  	v5 =	vld [tilespmem:s19+$0xFFFFFE80]  }
0x1eb: {  	v6 =	vld [tilespmem:s19+$0xFFFFFED0]  }
0x1ec: {  	v7 =	vld [tilespmem:s19+$0xFFFFFEE0]  }
0x1ed: {  	v8 =	vld [tilespmem:s19+$0xFFFFFEF0]  }
0x1ee: {  	v9 =	vld [tilespmem:s19+$0xFFFFFF00]  }
0x1ef: {  	[tilespmem:v2+s13+$0x0] =	vst.idx.add.s32.msk $0xffff, v1  }
0x1f0: {  	[tilespmem:v3+s13+$0x0] =	vst.idx.add.s32.msk $0xffff, v1  }
0x1f1: {  	[tilespmem:v4+s13+$0x0] =	vst.idx.add.s32.msk $0xffff, v1  }
0x1f2: {  	[tilespmem:v5+s13+$0x0] =	vst.idx.add.s32.msk $0xffff, v1  }
0x1f3: {  	[tilespmem:v6+s14+$0x0] =	vst.idx.add.s32.msk $0xffff, v1  }
0x1f4: {  	[tilespmem:v7+s14+$0x0] =	vst.idx.add.s32.msk $0xffff, v1  }
0x1f5: {  	[tilespmem:v8+s14+$0x0] =	vst.idx.add.s32.msk $0xffff, v1  }
0x1f6: {  	[tilespmem:v9+s14+$0x0] =	vst.idx.add.s32.msk $0xffff, v1  }
0x1f7: {  	v2 =	vld [tilespmem:s19+$0xFFFFFF10]  }
0x1f8: {  	v3 =	vld [tilespmem:s19+$0xFFFFFF20]  }
0x1f9: {  	v4 =	vld [tilespmem:s19+$0xFFFFFF30]  }
0x1fa: {  	v5 =	vld [tilespmem:s19+$0xFFFFFF40]  }
0x1fb: {  	v6 =	vld [tilespmem:s19+$0xFFFFFF90]  }
0x1fc: {  	v7 =	vld [tilespmem:s19+$0xFFFFFFA0]  }
0x1fd: {  	v8 =	vld [tilespmem:s19+$0xFFFFFFB0]  }
0x1fe: {  	v9 =	vld [tilespmem:s19+$0xFFFFFFC0]  }
0x1ff: {  	[tilespmem:v2+s13+$0x0] =	vst.idx.add.s32.msk $0xffff, v1  }
0x200: {  	[tilespmem:v3+s13+$0x0] =	vst.idx.add.s32.msk $0xffff, v1  }
0x201: {  	[tilespmem:v4+s13+$0x0] =	vst.idx.add.s32.msk $0xffff, v1  }
0x202: {  	[tilespmem:v5+s13+$0x0] =	vst.idx.add.s32.msk $0xffff, v1  }
0x203: {  	[tilespmem:v6+s14+$0x0] =	vst.idx.add.s32.msk $0xffff, v1  }
0x204: {  	[tilespmem:v7+s14+$0x0] =	vst.idx.add.s32.msk $0xffff, v1  }
0x205: {  	[tilespmem:v8+s14+$0x0] =	vst.idx.add.s32.msk $0xffff, v1  }
0x206: {  	[tilespmem:v9+s14+$0x0] =	vst.idx.add.s32.msk $0xffff, v1  }
0x207: {  	v3 =	vld [tilespmem:s19+$0xFFFFFF50]  }
0x208: {  	v4 =	vld [tilespmem:s19+$0xFFFFFF60]  }
0x209: {  	v5 =	vld [tilespmem:s19+$0xFFFFFF70]  }
0x20a: {  	v6 =	vld [tilespmem:s19+$0xFFFFFF80]  }
0x20b: {  	v7 =	vld [tilespmem:s19+$0xFFFFFFD0]  }
0x20c: {  	v8 =	vld [tilespmem:s19+$0xFFFFFFE0]  }
0x20d: {  	v9 =	vld [tilespmem:s19+$0xFFFFFFF0]  }
0x20e: {  	v2 =	vld [tilespmem:s19+$0x0]  }
0x20f: {  	[tilespmem:v3+s13+$0x0] =	vst.idx.add.s32.msk $0xffff, v1  }
0x210: {  	[tilespmem:v4+s13+$0x0] =	vst.idx.add.s32.msk $0xffff, v1  }
0x211: {  	[tilespmem:v5+s13+$0x0] =	vst.idx.add.s32.msk $0xffff, v1  }
0x212: {  	[tilespmem:v6+s13+$0x0] =	vst.idx.add.s32.msk $0xffff, v1  }
0x213: {  	[tilespmem:v7+s14+$0x0] =	vst.idx.add.s32.msk $0xffff, v1  }
0x214: {  	[tilespmem:v8+s14+$0x0] =	vst.idx.add.s32.msk $0xffff, v1  }
0x215: {  	s20 =	simm.s32 $0x0;
	[tilespmem:v9+s14+$0x0] =	vst.idx.add.s32.msk $0xffff, v1  }
.LBB2_11:
0x216: {  	s20 =	sadd.s32 $0x4, s20;
	[tilespmem:v2+s14+$0x0] =	vst.idx.add.s32.msk $0xffff, v1;
	s19 =	sadd.s32 $0x200, s19  }
0x217: {  	v2 =	vld [tilespmem:s19+$0xFFFFFE10];
	p1 =	slt.u32 s20, $0x24  }
0x218: {  	v3 =	vld [tilespmem:s19+$0xFFFFFE20]  }
0x219: {  	v4 =	vld [tilespmem:s19+$0xFFFFFE30]  }
0x21a: {  	v5 =	vld [tilespmem:s19+$0xFFFFFE40]  }
0x21b: {  	v6 =	vld [tilespmem:s19+$0xFFFFFE90]  }
0x21c: {  	v7 =	vld [tilespmem:s19+$0xFFFFFEA0]  }
0x21d: {  	v8 =	vld [tilespmem:s19+$0xFFFFFEB0]  }
0x21e: {  	v9 =	vld [tilespmem:s19+$0xFFFFFEC0]  }
0x21f: {  	[tilespmem:v2+s13+$0x0] =	vst.idx.add.s32.msk $0xffff, v1  }
0x220: {  	[tilespmem:v3+s13+$0x0] =	vst.idx.add.s32.msk $0xffff, v1  }
0x221: {  	[tilespmem:v4+s13+$0x0] =	vst.idx.add.s32.msk $0xffff, v1  }
0x222: {  	[tilespmem:v5+s13+$0x0] =	vst.idx.add.s32.msk $0xffff, v1  }
0x223: {  	[tilespmem:v6+s14+$0x0] =	vst.idx.add.s32.msk $0xffff, v1  }
0x224: {  	[tilespmem:v7+s14+$0x0] =	vst.idx.add.s32.msk $0xffff, v1  }
0x225: {  	[tilespmem:v8+s14+$0x0] =	vst.idx.add.s32.msk $0xffff, v1  }
0x226: {  	[tilespmem:v9+s14+$0x0] =	vst.idx.add.s32.msk $0xffff, v1  }
0x227: {  	v2 =	vld [tilespmem:s19+$0xFFFFFE50]  }
0x228: {  	v3 =	vld [tilespmem:s19+$0xFFFFFE60]  }
0x229: {  	v4 =	vld [tilespmem:s19+$0xFFFFFE70]  }
0x22a: {  	v5 =	vld [tilespmem:s19+$0xFFFFFE80]  }
0x22b: {  	v6 =	vld [tilespmem:s19+$0xFFFFFED0]  }
0x22c: {  	v7 =	vld [tilespmem:s19+$0xFFFFFEE0]  }
0x22d: {  	v8 =	vld [tilespmem:s19+$0xFFFFFEF0]  }
0x22e: {  	v9 =	vld [tilespmem:s19+$0xFFFFFF00]  }
0x22f: {  	[tilespmem:v2+s13+$0x0] =	vst.idx.add.s32.msk $0xffff, v1  }
0x230: {  	[tilespmem:v3+s13+$0x0] =	vst.idx.add.s32.msk $0xffff, v1  }
0x231: {  	[tilespmem:v4+s13+$0x0] =	vst.idx.add.s32.msk $0xffff, v1  }
0x232: {  	[tilespmem:v5+s13+$0x0] =	vst.idx.add.s32.msk $0xffff, v1  }
0x233: {  	[tilespmem:v6+s14+$0x0] =	vst.idx.add.s32.msk $0xffff, v1  }
0x234: {  	[tilespmem:v7+s14+$0x0] =	vst.idx.add.s32.msk $0xffff, v1  }
0x235: {  	[tilespmem:v8+s14+$0x0] =	vst.idx.add.s32.msk $0xffff, v1  }
0x236: {  	[tilespmem:v9+s14+$0x0] =	vst.idx.add.s32.msk $0xffff, v1  }
0x237: {  	v2 =	vld [tilespmem:s19+$0xFFFFFF10]  }
0x238: {  	v3 =	vld [tilespmem:s19+$0xFFFFFF20]  }
0x239: {  	v4 =	vld [tilespmem:s19+$0xFFFFFF30]  }
0x23a: {  	v5 =	vld [tilespmem:s19+$0xFFFFFF40]  }
0x23b: {  	v6 =	vld [tilespmem:s19+$0xFFFFFF90]  }
0x23c: {  	v7 =	vld [tilespmem:s19+$0xFFFFFFA0]  }
0x23d: {  	v8 =	vld [tilespmem:s19+$0xFFFFFFB0]  }
0x23e: {  	v9 =	vld [tilespmem:s19+$0xFFFFFFC0]  }
0x23f: {  	[tilespmem:v2+s13+$0x0] =	vst.idx.add.s32.msk $0xffff, v1  }
0x240: {  	[tilespmem:v3+s13+$0x0] =	vst.idx.add.s32.msk $0xffff, v1  }
0x241: {  	[tilespmem:v4+s13+$0x0] =	vst.idx.add.s32.msk $0xffff, v1  }
0x242: {  	[tilespmem:v5+s13+$0x0] =	vst.idx.add.s32.msk $0xffff, v1  }
0x243: {  	[tilespmem:v6+s14+$0x0] =	vst.idx.add.s32.msk $0xffff, v1  }
0x244: {  	[tilespmem:v7+s14+$0x0] =	vst.idx.add.s32.msk $0xffff, v1  }
0x245: {  	[tilespmem:v8+s14+$0x0] =	vst.idx.add.s32.msk $0xffff, v1  }
0x246: {  	[tilespmem:v9+s14+$0x0] =	vst.idx.add.s32.msk $0xffff, v1  }
0x247: {  	v3 =	vld [tilespmem:s19+$0xFFFFFF50]  }
0x248: {  	v4 =	vld [tilespmem:s19+$0xFFFFFF60]  }
0x249: {  	v5 =	vld [tilespmem:s19+$0xFFFFFF70]  }
0x24a: {  	v6 =	vld [tilespmem:s19+$0xFFFFFF80]  }
0x24b: {  	v7 =	vld [tilespmem:s19+$0xFFFFFFD0]  }
0x24c: {  	v8 =	vld [tilespmem:s19+$0xFFFFFFE0]  }
0x24d: {  	v9 =	vld [tilespmem:s19+$0xFFFFFFF0]  }
0x24e: {  	v2 =	vld [tilespmem:s19+$0x0]  }
0x24f: {  	[tilespmem:v3+s13+$0x0] =	vst.idx.add.s32.msk $0xffff, v1  }
0x250: {  	[tilespmem:v4+s13+$0x0] =	vst.idx.add.s32.msk $0xffff, v1  }
.Ltmp7:
0x251: {  	[tilespmem:v5+s13+$0x0] =	vst.idx.add.s32.msk $0xffff, v1;
	(pc) =	sbr.rel @p1 .LBB2_11-.Ltmp7, $4  }
0x252: {  	[tilespmem:v6+s13+$0x0] =	vst.idx.add.s32.msk $0xffff, v1  }
0x253: {  	[tilespmem:v7+s14+$0x0] =	vst.idx.add.s32.msk $0xffff, v1  }
0x254: {  	[tilespmem:v8+s14+$0x0] =	vst.idx.add.s32.msk $0xffff, v1  }
0x255: {  	[tilespmem:v9+s14+$0x0] =	vst.idx.add.s32.msk $0xffff, v1  }
.Ltmp8:
0x256: {  	_ = 	snop;
	(pc) =	sbr.rel .LBB2_12-.Ltmp8, $1  }
0x257: {  	_ =	sdelay $0x3  }
.LBB2_14:
0x258: {  	_ =	sfence.sel $0x180000  }
0x259: {  	[bflag:$0x0] =	sbarrier.arrive $0xFFFF  }
0x25a: {  	p0 =	sne.s32 s1, $0x0;
	_ =	strace $0x90000047  }
0x25b: {  	s0 =	sadd.s32 @!p0 $0x100000, s0;
	[bflag:$0x2] =	sbarrier.arrive $0xFFFF  }
0x25c: {  	[sflag:s0] =	ssyncadd.tile.s32 @!p0 $0x1;
	_ =	shalt  }
.Lfunc_end2:
_tile_overlayer_lowered:
.L_overlay_start_2:
0x25d: {  	(tag) =	ssettag $0x2  }
0x25e: {  	s0 =	rddreg [dreg:$0x0];
	s2 =	stileid.u32  }
0x25f: {  	s1 =	rddreg [dreg:$0x1];
	p0 =	sne.s32 s2, $0x0  }
0x260: {  	s3 =	rddreg [dreg:$0x2];
	[bflag:$0x3] =	sbarrier.arrive $0xFFFF;
	s2 =	simm.s32 @!p0 $0x1C02  }
0x261: {  	[timem:s3], [sflag:s2] =	dma.local @!p0 [hbm:s0], s1  }
0x262: {  	s0 =	simm.s32 @!p0 $0x2  }
0x263: {  	_ =	swait.ge @!p0 [sflag:s0], s1  }
0x264: {  	s1 =	ssub.s32 @!p0 $0x0, s1;
	[sflag:s0] =	ssyncset.done @!p0 $0x0  }
0x265: {  	[sflag:s0] =	ssyncadd.s32 @!p0 s1  }
0x266: {  	[bflag:$0x3] =	sbarrier.arrive $0xFFFF  }
0x267: {  	_ =	shalt  }

</sc_bundles>
